<compile_context>
chip_gen: v7x
topology: tpu7x:2x2x1
jax: 0.10.2.dev20260603
libtpu: 0.0.44.dev20260713+nightly
codegen_flags: <defaults>
</compile_context>

<pallas_src>
import functools

import jax
import jax.numpy as jnp
from jax import lax
from jax.experimental import pallas as pl
from jax.experimental.pallas import tpu as pltpu
from jax.experimental.pallas import tpu_sc as plsc

BATCH = 16384
NROWS = 1000000
EMB = 64
HID = 128

_NC = 2
_NS = 16
_NW = _NC * _NS
_RPW = BATCH // _NW
_CH = 128
_NCHUNK = _RPW // _CH

_BT = 12288
_BB = 2048


def _round_bits(x):
    bits = lax.bitcast_convert_type(x, jnp.uint32)
    return (bits + 0x8000) & jnp.uint32(0xFFFF0000)


def _pack_body(a_ref, b_ref, c_ref, d_ref, out_ref):
    pair = lambda x_ref, y_ref: lax.bitcast_convert_type(
        _round_bits(x_ref[...].T) | (_round_bits(y_ref[...].T) >> 16),
        jnp.float32)
    out_ref[:, :EMB] = pair(a_ref, b_ref)
    out_ref[:, EMB:] = pair(c_ref, d_ref)


def _pack(tA, tB, tC, tD):
    grid = pl.cdiv(NROWS, _BT)
    tspec = pl.BlockSpec((EMB, _BT), lambda i: (0, i))
    return pl.pallas_call(
        _pack_body,
        grid=(grid,),
        in_specs=[tspec, tspec, tspec, tspec],
        out_specs=pl.BlockSpec((_BT, 2 * EMB), lambda i: (i, 0)),
        out_shape=jax.ShapeDtypeStruct((NROWS, 2 * EMB), jnp.float32),
        compiler_params=pltpu.CompilerParams(
            dimension_semantics=("arbitrary",),
            vmem_limit_bytes=100 * 1024 * 1024),
    )(tA, tB, tC, tD)


def _sc_gather_body(uidx_hbm, iidx_hbm, p_hbm,
                    out_u, out_i,
                    uidx_v, iidx_v, buf_a, buf_b, sem_a, sem_b):
    wid = lax.axis_index("s") * _NC + lax.axis_index("c")
    base = wid * _RPW
    pltpu.sync_copy(uidx_hbm.at[pl.ds(wid * _NCHUNK, _NCHUNK)], uidx_v)
    pltpu.sync_copy(iidx_hbm.at[pl.ds(wid * _NCHUNK, _NCHUNK)], iidx_v)

    bufs = (buf_a, buf_b)
    sems = (sem_a, sem_b)

    for tbl, idxv, out in ((p_hbm, uidx_v, out_u), (p_hbm, iidx_v, out_i)):
        def fire(c):
            return pltpu.async_copy(tbl.at[idxv.at[c]], bufs[c % 2],
                                    sems[c % 2])

        pending = fire(0)
        for c in range(_NCHUNK):
            nxt = fire(c + 1) if c + 1 < _NCHUNK else None
            pending.wait()
            pltpu.sync_copy(bufs[c % 2],
                            out.at[pl.ds(base + c * _CH, _CH)])
            pending = nxt


@functools.cache
def _sc_gather():
    return pl.kernel(
        _sc_gather_body,
        mesh=plsc.VectorSubcoreMesh(core_axis_name="c", subcore_axis_name="s"),
        out_type=[jax.ShapeDtypeStruct((BATCH, 2 * EMB), jnp.float32)] * 2,
        scratch_types=[
            pltpu.VMEM((_NCHUNK, _CH), jnp.int32),
            pltpu.VMEM((_NCHUNK, _CH), jnp.int32),
            pltpu.VMEM((_CH, 2 * EMB), jnp.float32),
            pltpu.VMEM((_CH, 2 * EMB), jnp.float32),
            pltpu.SemaphoreType.DMA,
            pltpu.SemaphoreType.DMA,
        ],
        compiler_params=pltpu.CompilerParams(use_tc_tiling_on_sc=False),
    )


def _unpack(x):
    bits = lax.bitcast_convert_type(x, jnp.uint32)
    hi = lax.bitcast_convert_type(bits & jnp.uint32(0xFFFF0000), jnp.float32)
    lo = lax.bitcast_convert_type(bits << 16, jnp.float32)
    return hi, lo


def _mlp_body(gu_ref, gi_ref,
              w1a_ref, w1b_ref, b1_ref, w2_ref, b2_ref, w3_ref, b3_ref,
              wog_ref, woh_ref, bo_ref, out_ref):
    dot = functools.partial(jnp.dot, preferred_element_type=jnp.float32)
    gmf_u, mlp_u = _unpack(gu_ref[:, :EMB])
    gmf_i, mlp_i = _unpack(gi_ref[:, EMB:])
    h = jnp.maximum(dot(mlp_u, w1a_ref[...]) +
                    dot(mlp_i, w1b_ref[...]) + b1_ref[...], 0.0)
    h = jnp.maximum(dot(h, w2_ref[...]) + b2_ref[...], 0.0)
    h = jnp.maximum(dot(h, w3_ref[...]) + b3_ref[...], 0.0)
    gmf = gmf_u * gmf_i
    out_ref[...] = dot(gmf, wog_ref[...]) + dot(h, woh_ref[...]) + bo_ref[...]


def _mlp(gu, gi, w1a, w1b, b1, w2, b2, w3, b3, wog, woh, bo):
    grid = BATCH // _BB
    row = lambda i: (i, 0)
    rep = lambda i: (0, 0)
    emb_spec = pl.BlockSpec((_BB, 2 * EMB), row)
    full = lambda a: pl.BlockSpec(a.shape, rep)
    return pl.pallas_call(
        _mlp_body,
        grid=(grid,),
        in_specs=[emb_spec, emb_spec,
                  full(w1a), full(w1b), full(b1), full(w2), full(b2),
                  full(w3), full(b3), full(wog), full(woh), full(bo)],
        out_specs=pl.BlockSpec((_BB, 1), row),
        out_shape=jax.ShapeDtypeStruct((BATCH, 1), jnp.float32),
        compiler_params=pltpu.CompilerParams(
            dimension_semantics=("arbitrary",)),
    )(gu, gi, w1a, w1b, b1, w2, b2, w3, b3, wog, woh, bo)


def kernel(user, item, gmf_user, gmf_item, mlp_user, mlp_item,
           W1, b1, W2, b2, W3, b3, Wo, bo):
    user2d = user.astype(jnp.int32).reshape(BATCH // _CH, _CH)
    item2d = item.astype(jnp.int32).reshape(BATCH // _CH, _CH)
    p = _pack(gmf_user.T, mlp_user.T, gmf_item.T, mlp_item.T)
    g_u, g_i = _sc_gather()(user2d, item2d, p)
    out = _mlp(g_u, g_i,
               W1[:EMB], W1[EMB:], b1.reshape(1, HID),
               W2, b2.reshape(1, HID // 2), W3, b3.reshape(1, EMB),
               Wo[:EMB], Wo[EMB:], bo.reshape(1, 1))
    return out.reshape(BATCH)

# --- scband reference (transcript-rebuilt; emitter-appended) ---
"""Pipeline reference for scband-neu-mfmodel-32641751450093 (READ-ONLY COPY).

The authoritative reference and input builder live on the scoring server;
editing this copy changes nothing except your own understanding.
"""

import jax, jax.numpy as jnp
import numpy as np

NUM_USERS = 1000000
NUM_ITEMS = 1000000
EMB = 64
HID = 128
BATCH = 16384


def setup_inputs(seed: int = 0) -> dict:
    key = jax.random.key(seed)
    ks = jax.random.split(key, 16)
    user = jax.random.randint(ks[0], (BATCH,), 0, NUM_USERS, dtype=jnp.int64) if jax.config.jax_enable_x64 else jax.random.randint(ks[0], (BATCH,), 0, NUM_USERS, dtype=jnp.int32)
    item = jax.random.randint(ks[1], (BATCH,), 0, NUM_ITEMS, dtype=jnp.int32)
    # xavier-ish init for embedding tables
    s_emb = float(np.sqrt(6.0 / (NUM_USERS + EMB)))
    gmf_user = jax.random.uniform(ks[2], (NUM_USERS, EMB), jnp.float32, -s_emb, s_emb)
    gmf_item = jax.random.uniform(ks[3], (NUM_ITEMS, EMB), jnp.float32, -s_emb, s_emb)
    mlp_user = jax.random.uniform(ks[4], (NUM_USERS, EMB), jnp.float32, -s_emb, s_emb)
    mlp_item = jax.random.uniform(ks[5], (NUM_ITEMS, EMB), jnp.float32, -s_emb, s_emb)
    def lin(k, fan_in, fan_out):
        bound = float(np.sqrt(1.0 / fan_in))
        kw, kb = jax.random.split(k)
        W = jax.random.uniform(kw, (fan_in, fan_out), jnp.float32, -bound, bound)
        b = jax.random.uniform(kb, (fan_out,), jnp.float32, -bound, bound)
        return W, b
    W1, b1 = lin(ks[6], 2 * EMB, HID)
    W2, b2 = lin(ks[7], HID, HID // 2)
    W3, b3 = lin(ks[8], HID // 2, EMB)
    Wo, bo = lin(ks[9], 2 * EMB, 1)
    return {"user": user, "item": item,
            "gmf_user": gmf_user, "gmf_item": gmf_item,
            "mlp_user": mlp_user, "mlp_item": mlp_item,
            "W1": W1, "b1": b1, "W2": W2, "b2": b2,
            "W3": W3, "b3": b3, "Wo": Wo, "bo": bo}


def reference(user, item, gmf_user, gmf_item, mlp_user, mlp_item,
              W1, b1, W2, b2, W3, b3, Wo, bo):
    gmf = jnp.take(gmf_user, user, axis=0) * jnp.take(gmf_item, item, axis=0)
    mlp_in = jnp.concatenate([jnp.take(mlp_user, user, axis=0),
                              jnp.take(mlp_item, item, axis=0)], axis=-1)
    h = jax.nn.relu(mlp_in @ W1 + b1)
    h = jax.nn.relu(h @ W2 + b2)
    h = jax.nn.relu(h @ W3 + b3)
    combined = jnp.concatenate([gmf, h], axis=-1)
    out = (combined @ Wo + bo).squeeze(-1)
    return out

if __name__ == "__main__":
    import jax
    _d = setup_inputs()
    print(jax.jit(kernel)(*tuple(_d.values())))

</pallas_src>

<mosaic_0001>
#map = affine_map<(d0, d1) -> (0, 0)>
module attributes {stable_mosaic.version = 14 : i64} {
  func.func @_sc_gather_body(%arg0: i32, %arg1: i32, %arg2: memref<128x128xi32, #tpu.memory_space<hbm>>, %arg3: memref<128x128xi32, #tpu.memory_space<hbm>>, %arg4: memref<1000000x128xf32, #tpu.memory_space<hbm>>, %arg5: memref<16384x128xf32, #tpu.memory_space<hbm>>, %arg6: memref<16384x128xf32, #tpu.memory_space<hbm>>, %arg7: memref<4x128xi32, #tpu.memory_space<vmem>>, %arg8: memref<4x128xi32, #tpu.memory_space<vmem>>, %arg9: memref<128x128xf32, #tpu.memory_space<vmem>>, %arg10: memref<128x128xf32, #tpu.memory_space<vmem>>, %arg11: memref<!tpu.dma_semaphore, #tpu.memory_space<semaphore_mem>>, %arg12: memref<!tpu.dma_semaphore, #tpu.memory_space<semaphore_mem>>) attributes {dimension_semantics = [#tpu.dimension_semantics<core_parallel>, #tpu.dimension_semantics<subcore_parallel>], iteration_bounds = array<i64: 2, 16>, scalar_prefetch = 0 : i64, scratch_operands = 6 : i64, tpu.core_type = #tpu.core_type<sc_vector_subcore>, window_params = [{transform_indices = #map}, {transform_indices = #map}, {transform_indices = #map}, {transform_indices = #map}, {transform_indices = #map}]} {
    %mul3A = arith.constant 2 : i32
    %mul3A_0 = arith.muli %arg1, %mul3A : i32
    %add3A = arith.addi %mul3A_0, %arg0 : i32
    %mul3A_1 = arith.constant 512 : i32
    %mul3A_2 = arith.muli %add3A, %mul3A_1 : i32
    %mul3A_3 = arith.constant 4 : i32
    %mul3A_4 = arith.muli %add3A, %mul3A_3 : i32
    "tpu.region"() ({
      %run_scoped3A = tpu.sem_alloc : memref<!tpu.dma_semaphore, #tpu.memory_space<semaphore_mem>>
      %dma_start3A_133 = arith.constant 0 : i32
      %dma_start3A_134 = tpu.memref_slice %arg2[%mul3A_4, %dma_start3A_133] : memref<128x128xi32, #tpu.memory_space<hbm>> -> memref<4x128xi32, #tpu.memory_space<hbm>>
      %dma_start3A_135 = arith.constant 0 : i32
      %dma_start3A_136 = tpu.memref_slice %arg2[%mul3A_4, %dma_start3A_135] : memref<128x128xi32, #tpu.memory_space<hbm>> -> memref<4x128xi32, #tpu.memory_space<hbm>>
      tpu.enqueue_dma source(%dma_start3A_136 : memref<4x128xi32, #tpu.memory_space<hbm>>) target(%arg7 : memref<4x128xi32, #tpu.memory_space<vmem>>) target_semaphore(%run_scoped3A : memref<!tpu.dma_semaphore, #tpu.memory_space<semaphore_mem>>)
      %dma_wait3A_137 = arith.constant 0 : i32
      %dma_wait3A_138 = tpu.memref_slice %arg2[%mul3A_4, %dma_wait3A_137] : memref<128x128xi32, #tpu.memory_space<hbm>> -> memref<4x128xi32, #tpu.memory_space<hbm>>
      %dma_wait3A_139 = arith.constant 0 : i32
      %dma_wait3A_140 = tpu.memref_slice %arg2[%mul3A_4, %dma_wait3A_139] : memref<128x128xi32, #tpu.memory_space<hbm>> -> memref<4x128xi32, #tpu.memory_space<hbm>>
      tpu.wait_dma2 semaphore(%run_scoped3A : memref<!tpu.dma_semaphore, #tpu.memory_space<semaphore_mem>>) src(%dma_wait3A_140 : memref<4x128xi32, #tpu.memory_space<hbm>>) dst(%arg7 : memref<4x128xi32, #tpu.memory_space<vmem>>)
      tpu.yield
    }) : () -> ()
    %mul3A_5 = arith.constant 4 : i32
    %mul3A_6 = arith.muli %add3A, %mul3A_5 : i32
    "tpu.region"() ({
      %run_scoped3A = tpu.sem_alloc : memref<!tpu.dma_semaphore, #tpu.memory_space<semaphore_mem>>
      %dma_start3A_133 = arith.constant 0 : i32
      %dma_start3A_134 = tpu.memref_slice %arg3[%mul3A_6, %dma_start3A_133] : memref<128x128xi32, #tpu.memory_space<hbm>> -> memref<4x128xi32, #tpu.memory_space<hbm>>
      %dma_start3A_135 = arith.constant 0 : i32
      %dma_start3A_136 = tpu.memref_slice %arg3[%mul3A_6, %dma_start3A_135] : memref<128x128xi32, #tpu.memory_space<hbm>> -> memref<4x128xi32, #tpu.memory_space<hbm>>
      tpu.enqueue_dma source(%dma_start3A_136 : memref<4x128xi32, #tpu.memory_space<hbm>>) target(%arg8 : memref<4x128xi32, #tpu.memory_space<vmem>>) target_semaphore(%run_scoped3A : memref<!tpu.dma_semaphore, #tpu.memory_space<semaphore_mem>>)
      %dma_wait3A_137 = arith.constant 0 : i32
      %dma_wait3A_138 = tpu.memref_slice %arg3[%mul3A_6, %dma_wait3A_137] : memref<128x128xi32, #tpu.memory_space<hbm>> -> memref<4x128xi32, #tpu.memory_space<hbm>>
      %dma_wait3A_139 = arith.constant 0 : i32
      %dma_wait3A_140 = tpu.memref_slice %arg3[%mul3A_6, %dma_wait3A_139] : memref<128x128xi32, #tpu.memory_space<hbm>> -> memref<4x128xi32, #tpu.memory_space<hbm>>
      tpu.wait_dma2 semaphore(%run_scoped3A : memref<!tpu.dma_semaphore, #tpu.memory_space<semaphore_mem>>) src(%dma_wait3A_140 : memref<4x128xi32, #tpu.memory_space<hbm>>) dst(%arg8 : memref<4x128xi32, #tpu.memory_space<vmem>>)
      tpu.yield
    }) : () -> ()
    %dma_start3A = arith.constant 0 : i32
    %dma_start3A_7 = arith.constant 0 : i32
    %dma_start3A_8 = tpu.memref_slice %arg7[%dma_start3A, %dma_start3A_7] : memref<4x128xi32, #tpu.memory_space<vmem>> -> memref<1x128xi32, #tpu.memory_space<vmem>>
    %dma_start3A_9 = tpu.memref_squeeze %dma_start3A_8 : memref<1x128xi32, #tpu.memory_space<vmem>> -> memref<128xi32, #tpu.memory_space<vmem>>
    %dma_start3A_10 = arith.constant 0 : i32
    %dma_start3A_11 = arith.constant 0 : i32
    %dma_start3A_12 = tpu.memref_slice %arg4[%dma_start3A_10, %dma_start3A_11] : memref<1000000x128xf32, #tpu.memory_space<hbm>> -> memref<1000000x128xf32, #tpu.memory_space<hbm>>
    tpu.enqueue_indirect_dma source(%dma_start3A_12 : memref<1000000x128xf32, #tpu.memory_space<hbm>>) target(%arg9 : memref<128x128xf32, #tpu.memory_space<vmem>>) offsets(%dma_start3A_9 : memref<128xi32, #tpu.memory_space<vmem>>) semaphore(%arg11 : memref<!tpu.dma_semaphore, #tpu.memory_space<semaphore_mem>>)
    %dma_start3A_13 = arith.constant 1 : i32
    %dma_start3A_14 = arith.constant 0 : i32
    %dma_start3A_15 = tpu.memref_slice %arg7[%dma_start3A_13, %dma_start3A_14] : memref<4x128xi32, #tpu.memory_space<vmem>> -> memref<1x128xi32, #tpu.memory_space<vmem>>
    %dma_start3A_16 = tpu.memref_squeeze %dma_start3A_15 : memref<1x128xi32, #tpu.memory_space<vmem>> -> memref<128xi32, #tpu.memory_space<vmem>>
    %dma_start3A_17 = arith.constant 0 : i32
    %dma_start3A_18 = arith.constant 0 : i32
    %dma_start3A_19 = tpu.memref_slice %arg4[%dma_start3A_17, %dma_start3A_18] : memref<1000000x128xf32, #tpu.memory_space<hbm>> -> memref<1000000x128xf32, #tpu.memory_space<hbm>>
    tpu.enqueue_indirect_dma source(%dma_start3A_19 : memref<1000000x128xf32, #tpu.memory_space<hbm>>) target(%arg10 : memref<128x128xf32, #tpu.memory_space<vmem>>) offsets(%dma_start3A_16 : memref<128xi32, #tpu.memory_space<vmem>>) semaphore(%arg12 : memref<!tpu.dma_semaphore, #tpu.memory_space<semaphore_mem>>)
    %dma_wait3A = arith.constant 0 : i32
    %dma_wait3A_20 = arith.constant 0 : i32
    %dma_wait3A_21 = tpu.memref_slice %arg7[%dma_wait3A, %dma_wait3A_20] : memref<4x128xi32, #tpu.memory_space<vmem>> -> memref<1x128xi32, #tpu.memory_space<vmem>>
    %dma_wait3A_22 = tpu.memref_squeeze %dma_wait3A_21 : memref<1x128xi32, #tpu.memory_space<vmem>> -> memref<128xi32, #tpu.memory_space<vmem>>
    %dma_wait3A_23 = arith.constant 0 : i32
    %dma_wait3A_24 = arith.constant 0 : i32
    %dma_wait3A_25 = tpu.memref_slice %arg4[%dma_wait3A_23, %dma_wait3A_24] : memref<1000000x128xf32, #tpu.memory_space<hbm>> -> memref<1000000x128xf32, #tpu.memory_space<hbm>>
    tpu.wait_indirect_dma semaphore(%arg11 : memref<!tpu.dma_semaphore, #tpu.memory_space<semaphore_mem>>) src(%dma_wait3A_25 : memref<1000000x128xf32, #tpu.memory_space<hbm>>) dst(%arg9 : memref<128x128xf32, #tpu.memory_space<vmem>>)
    %add3A_26 = arith.constant 0 : i32
    %add3A_27 = arith.addi %mul3A_2, %add3A_26 : i32
    "tpu.region"() ({
      %run_scoped3A = tpu.sem_alloc : memref<!tpu.dma_semaphore, #tpu.memory_space<semaphore_mem>>
      %dma_start3A_133 = arith.constant 0 : i32
      %dma_start3A_134 = tpu.memref_slice %arg5[%add3A_27, %dma_start3A_133] : memref<16384x128xf32, #tpu.memory_space<hbm>> -> memref<128x128xf32, #tpu.memory_space<hbm>>
      %dma_start3A_135 = arith.constant 0 : i32
      %dma_start3A_136 = tpu.memref_slice %arg5[%add3A_27, %dma_start3A_135] : memref<16384x128xf32, #tpu.memory_space<hbm>> -> memref<128x128xf32, #tpu.memory_space<hbm>>
      tpu.enqueue_dma source(%arg9 : memref<128x128xf32, #tpu.memory_space<vmem>>) target(%dma_start3A_136 : memref<128x128xf32, #tpu.memory_space<hbm>>) target_semaphore(%run_scoped3A : memref<!tpu.dma_semaphore, #tpu.memory_space<semaphore_mem>>)
      %dma_wait3A_137 = arith.constant 0 : i32
      %dma_wait3A_138 = tpu.memref_slice %arg5[%add3A_27, %dma_wait3A_137] : memref<16384x128xf32, #tpu.memory_space<hbm>> -> memref<128x128xf32, #tpu.memory_space<hbm>>
      %dma_wait3A_139 = arith.constant 0 : i32
      %dma_wait3A_140 = tpu.memref_slice %arg5[%add3A_27, %dma_wait3A_139] : memref<16384x128xf32, #tpu.memory_space<hbm>> -> memref<128x128xf32, #tpu.memory_space<hbm>>
      tpu.wait_dma2 semaphore(%run_scoped3A : memref<!tpu.dma_semaphore, #tpu.memory_space<semaphore_mem>>) src(%arg9 : memref<128x128xf32, #tpu.memory_space<vmem>>) dst(%dma_wait3A_140 : memref<128x128xf32, #tpu.memory_space<hbm>>)
      tpu.yield
    }) : () -> ()
    %dma_start3A_28 = arith.constant 2 : i32
    %dma_start3A_29 = arith.constant 0 : i32
    %dma_start3A_30 = tpu.memref_slice %arg7[%dma_start3A_28, %dma_start3A_29] : memref<4x128xi32, #tpu.memory_space<vmem>> -> memref<1x128xi32, #tpu.memory_space<vmem>>
    %dma_start3A_31 = tpu.memref_squeeze %dma_start3A_30 : memref<1x128xi32, #tpu.memory_space<vmem>> -> memref<128xi32, #tpu.memory_space<vmem>>
    %dma_start3A_32 = arith.constant 0 : i32
    %dma_start3A_33 = arith.constant 0 : i32
    %dma_start3A_34 = tpu.memref_slice %arg4[%dma_start3A_32, %dma_start3A_33] : memref<1000000x128xf32, #tpu.memory_space<hbm>> -> memref<1000000x128xf32, #tpu.memory_space<hbm>>
    tpu.enqueue_indirect_dma source(%dma_start3A_34 : memref<1000000x128xf32, #tpu.memory_space<hbm>>) target(%arg9 : memref<128x128xf32, #tpu.memory_space<vmem>>) offsets(%dma_start3A_31 : memref<128xi32, #tpu.memory_space<vmem>>) semaphore(%arg11 : memref<!tpu.dma_semaphore, #tpu.memory_space<semaphore_mem>>)
    %dma_wait3A_35 = arith.constant 1 : i32
    %dma_wait3A_36 = arith.constant 0 : i32
    %dma_wait3A_37 = tpu.memref_slice %arg7[%dma_wait3A_35, %dma_wait3A_36] : memref<4x128xi32, #tpu.memory_space<vmem>> -> memref<1x128xi32, #tpu.memory_space<vmem>>
    %dma_wait3A_38 = tpu.memref_squeeze %dma_wait3A_37 : memref<1x128xi32, #tpu.memory_space<vmem>> -> memref<128xi32, #tpu.memory_space<vmem>>
    %dma_wait3A_39 = arith.constant 0 : i32
    %dma_wait3A_40 = arith.constant 0 : i32
    %dma_wait3A_41 = tpu.memref_slice %arg4[%dma_wait3A_39, %dma_wait3A_40] : memref<1000000x128xf32, #tpu.memory_space<hbm>> -> memref<1000000x128xf32, #tpu.memory_space<hbm>>
    tpu.wait_indirect_dma semaphore(%arg12 : memref<!tpu.dma_semaphore, #tpu.memory_space<semaphore_mem>>) src(%dma_wait3A_41 : memref<1000000x128xf32, #tpu.memory_space<hbm>>) dst(%arg10 : memref<128x128xf32, #tpu.memory_space<vmem>>)
    %add3A_42 = arith.constant 128 : i32
    %add3A_43 = arith.addi %mul3A_2, %add3A_42 : i32
    "tpu.region"() ({
      %run_scoped3A = tpu.sem_alloc : memref<!tpu.dma_semaphore, #tpu.memory_space<semaphore_mem>>
      %dma_start3A_133 = arith.constant 0 : i32
      %dma_start3A_134 = tpu.memref_slice %arg5[%add3A_43, %dma_start3A_133] : memref<16384x128xf32, #tpu.memory_space<hbm>> -> memref<128x128xf32, #tpu.memory_space<hbm>>
      %dma_start3A_135 = arith.constant 0 : i32
      %dma_start3A_136 = tpu.memref_slice %arg5[%add3A_43, %dma_start3A_135] : memref<16384x128xf32, #tpu.memory_space<hbm>> -> memref<128x128xf32, #tpu.memory_space<hbm>>
      tpu.enqueue_dma source(%arg10 : memref<128x128xf32, #tpu.memory_space<vmem>>) target(%dma_start3A_136 : memref<128x128xf32, #tpu.memory_space<hbm>>) target_semaphore(%run_scoped3A : memref<!tpu.dma_semaphore, #tpu.memory_space<semaphore_mem>>)
      %dma_wait3A_137 = arith.constant 0 : i32
      %dma_wait3A_138 = tpu.memref_slice %arg5[%add3A_43, %dma_wait3A_137] : memref<16384x128xf32, #tpu.memory_space<hbm>> -> memref<128x128xf32, #tpu.memory_space<hbm>>
      %dma_wait3A_139 = arith.constant 0 : i32
      %dma_wait3A_140 = tpu.memref_slice %arg5[%add3A_43, %dma_wait3A_139] : memref<16384x128xf32, #tpu.memory_space<hbm>> -> memref<128x128xf32, #tpu.memory_space<hbm>>
      tpu.wait_dma2 semaphore(%run_scoped3A : memref<!tpu.dma_semaphore, #tpu.memory_space<semaphore_mem>>) src(%arg10 : memref<128x128xf32, #tpu.memory_space<vmem>>) dst(%dma_wait3A_140 : memref<128x128xf32, #tpu.memory_space<hbm>>)
      tpu.yield
    }) : () -> ()
    %dma_start3A_44 = arith.constant 3 : i32
    %dma_start3A_45 = arith.constant 0 : i32
    %dma_start3A_46 = tpu.memref_slice %arg7[%dma_start3A_44, %dma_start3A_45] : memref<4x128xi32, #tpu.memory_space<vmem>> -> memref<1x128xi32, #tpu.memory_space<vmem>>
    %dma_start3A_47 = tpu.memref_squeeze %dma_start3A_46 : memref<1x128xi32, #tpu.memory_space<vmem>> -> memref<128xi32, #tpu.memory_space<vmem>>
    %dma_start3A_48 = arith.constant 0 : i32
    %dma_start3A_49 = arith.constant 0 : i32
    %dma_start3A_50 = tpu.memref_slice %arg4[%dma_start3A_48, %dma_start3A_49] : memref<1000000x128xf32, #tpu.memory_space<hbm>> -> memref<1000000x128xf32, #tpu.memory_space<hbm>>
    tpu.enqueue_indirect_dma source(%dma_start3A_50 : memref<1000000x128xf32, #tpu.memory_space<hbm>>) target(%arg10 : memref<128x128xf32, #tpu.memory_space<vmem>>) offsets(%dma_start3A_47 : memref<128xi32, #tpu.memory_space<vmem>>) semaphore(%arg12 : memref<!tpu.dma_semaphore, #tpu.memory_space<semaphore_mem>>)
    %dma_wait3A_51 = arith.constant 2 : i32
    %dma_wait3A_52 = arith.constant 0 : i32
    %dma_wait3A_53 = tpu.memref_slice %arg7[%dma_wait3A_51, %dma_wait3A_52] : memref<4x128xi32, #tpu.memory_space<vmem>> -> memref<1x128xi32, #tpu.memory_space<vmem>>
    %dma_wait3A_54 = tpu.memref_squeeze %dma_wait3A_53 : memref<1x128xi32, #tpu.memory_space<vmem>> -> memref<128xi32, #tpu.memory_space<vmem>>
    %dma_wait3A_55 = arith.constant 0 : i32
    %dma_wait3A_56 = arith.constant 0 : i32
    %dma_wait3A_57 = tpu.memref_slice %arg4[%dma_wait3A_55, %dma_wait3A_56] : memref<1000000x128xf32, #tpu.memory_space<hbm>> -> memref<1000000x128xf32, #tpu.memory_space<hbm>>
    tpu.wait_indirect_dma semaphore(%arg11 : memref<!tpu.dma_semaphore, #tpu.memory_space<semaphore_mem>>) src(%dma_wait3A_57 : memref<1000000x128xf32, #tpu.memory_space<hbm>>) dst(%arg9 : memref<128x128xf32, #tpu.memory_space<vmem>>)
    %add3A_58 = arith.constant 256 : i32
    %add3A_59 = arith.addi %mul3A_2, %add3A_58 : i32
    "tpu.region"() ({
      %run_scoped3A = tpu.sem_alloc : memref<!tpu.dma_semaphore, #tpu.memory_space<semaphore_mem>>
      %dma_start3A_133 = arith.constant 0 : i32
      %dma_start3A_134 = tpu.memref_slice %arg5[%add3A_59, %dma_start3A_133] : memref<16384x128xf32, #tpu.memory_space<hbm>> -> memref<128x128xf32, #tpu.memory_space<hbm>>
      %dma_start3A_135 = arith.constant 0 : i32
      %dma_start3A_136 = tpu.memref_slice %arg5[%add3A_59, %dma_start3A_135] : memref<16384x128xf32, #tpu.memory_space<hbm>> -> memref<128x128xf32, #tpu.memory_space<hbm>>
      tpu.enqueue_dma source(%arg9 : memref<128x128xf32, #tpu.memory_space<vmem>>) target(%dma_start3A_136 : memref<128x128xf32, #tpu.memory_space<hbm>>) target_semaphore(%run_scoped3A : memref<!tpu.dma_semaphore, #tpu.memory_space<semaphore_mem>>)
      %dma_wait3A_137 = arith.constant 0 : i32
      %dma_wait3A_138 = tpu.memref_slice %arg5[%add3A_59, %dma_wait3A_137] : memref<16384x128xf32, #tpu.memory_space<hbm>> -> memref<128x128xf32, #tpu.memory_space<hbm>>
      %dma_wait3A_139 = arith.constant 0 : i32
      %dma_wait3A_140 = tpu.memref_slice %arg5[%add3A_59, %dma_wait3A_139] : memref<16384x128xf32, #tpu.memory_space<hbm>> -> memref<128x128xf32, #tpu.memory_space<hbm>>
      tpu.wait_dma2 semaphore(%run_scoped3A : memref<!tpu.dma_semaphore, #tpu.memory_space<semaphore_mem>>) src(%arg9 : memref<128x128xf32, #tpu.memory_space<vmem>>) dst(%dma_wait3A_140 : memref<128x128xf32, #tpu.memory_space<hbm>>)
      tpu.yield
    }) : () -> ()
    %dma_wait3A_60 = arith.constant 3 : i32
    %dma_wait3A_61 = arith.constant 0 : i32
    %dma_wait3A_62 = tpu.memref_slice %arg7[%dma_wait3A_60, %dma_wait3A_61] : memref<4x128xi32, #tpu.memory_space<vmem>> -> memref<1x128xi32, #tpu.memory_space<vmem>>
    %dma_wait3A_63 = tpu.memref_squeeze %dma_wait3A_62 : memref<1x128xi32, #tpu.memory_space<vmem>> -> memref<128xi32, #tpu.memory_space<vmem>>
    %dma_wait3A_64 = arith.constant 0 : i32
    %dma_wait3A_65 = arith.constant 0 : i32
    %dma_wait3A_66 = tpu.memref_slice %arg4[%dma_wait3A_64, %dma_wait3A_65] : memref<1000000x128xf32, #tpu.memory_space<hbm>> -> memref<1000000x128xf32, #tpu.memory_space<hbm>>
    tpu.wait_indirect_dma semaphore(%arg12 : memref<!tpu.dma_semaphore, #tpu.memory_space<semaphore_mem>>) src(%dma_wait3A_66 : memref<1000000x128xf32, #tpu.memory_space<hbm>>) dst(%arg10 : memref<128x128xf32, #tpu.memory_space<vmem>>)
    %add3A_67 = arith.constant 384 : i32
    %add3A_68 = arith.addi %mul3A_2, %add3A_67 : i32
    "tpu.region"() ({
      %run_scoped3A = tpu.sem_alloc : memref<!tpu.dma_semaphore, #tpu.memory_space<semaphore_mem>>
      %dma_start3A_133 = arith.constant 0 : i32
      %dma_start3A_134 = tpu.memref_slice %arg5[%add3A_68, %dma_start3A_133] : memref<16384x128xf32, #tpu.memory_space<hbm>> -> memref<128x128xf32, #tpu.memory_space<hbm>>
      %dma_start3A_135 = arith.constant 0 : i32
      %dma_start3A_136 = tpu.memref_slice %arg5[%add3A_68, %dma_start3A_135] : memref<16384x128xf32, #tpu.memory_space<hbm>> -> memref<128x128xf32, #tpu.memory_space<hbm>>
      tpu.enqueue_dma source(%arg10 : memref<128x128xf32, #tpu.memory_space<vmem>>) target(%dma_start3A_136 : memref<128x128xf32, #tpu.memory_space<hbm>>) target_semaphore(%run_scoped3A : memref<!tpu.dma_semaphore, #tpu.memory_space<semaphore_mem>>)
      %dma_wait3A_137 = arith.constant 0 : i32
      %dma_wait3A_138 = tpu.memref_slice %arg5[%add3A_68, %dma_wait3A_137] : memref<16384x128xf32, #tpu.memory_space<hbm>> -> memref<128x128xf32, #tpu.memory_space<hbm>>
      %dma_wait3A_139 = arith.constant 0 : i32
      %dma_wait3A_140 = tpu.memref_slice %arg5[%add3A_68, %dma_wait3A_139] : memref<16384x128xf32, #tpu.memory_space<hbm>> -> memref<128x128xf32, #tpu.memory_space<hbm>>
      tpu.wait_dma2 semaphore(%run_scoped3A : memref<!tpu.dma_semaphore, #tpu.memory_space<semaphore_mem>>) src(%arg10 : memref<128x128xf32, #tpu.memory_space<vmem>>) dst(%dma_wait3A_140 : memref<128x128xf32, #tpu.memory_space<hbm>>)
      tpu.yield
    }) : () -> ()
    %dma_start3A_69 = arith.constant 0 : i32
    %dma_start3A_70 = arith.constant 0 : i32
    %dma_start3A_71 = tpu.memref_slice %arg8[%dma_start3A_69, %dma_start3A_70] : memref<4x128xi32, #tpu.memory_space<vmem>> -> memref<1x128xi32, #tpu.memory_space<vmem>>
    %dma_start3A_72 = tpu.memref_squeeze %dma_start3A_71 : memref<1x128xi32, #tpu.memory_space<vmem>> -> memref<128xi32, #tpu.memory_space<vmem>>
    %dma_start3A_73 = arith.constant 0 : i32
    %dma_start3A_74 = arith.constant 0 : i32
    %dma_start3A_75 = tpu.memref_slice %arg4[%dma_start3A_73, %dma_start3A_74] : memref<1000000x128xf32, #tpu.memory_space<hbm>> -> memref<1000000x128xf32, #tpu.memory_space<hbm>>
    tpu.enqueue_indirect_dma source(%dma_start3A_75 : memref<1000000x128xf32, #tpu.memory_space<hbm>>) target(%arg9 : memref<128x128xf32, #tpu.memory_space<vmem>>) offsets(%dma_start3A_72 : memref<128xi32, #tpu.memory_space<vmem>>) semaphore(%arg11 : memref<!tpu.dma_semaphore, #tpu.memory_space<semaphore_mem>>)
    %dma_start3A_76 = arith.constant 1 : i32
    %dma_start3A_77 = arith.constant 0 : i32
    %dma_start3A_78 = tpu.memref_slice %arg8[%dma_start3A_76, %dma_start3A_77] : memref<4x128xi32, #tpu.memory_space<vmem>> -> memref<1x128xi32, #tpu.memory_space<vmem>>
    %dma_start3A_79 = tpu.memref_squeeze %dma_start3A_78 : memref<1x128xi32, #tpu.memory_space<vmem>> -> memref<128xi32, #tpu.memory_space<vmem>>
    %dma_start3A_80 = arith.constant 0 : i32
    %dma_start3A_81 = arith.constant 0 : i32
    %dma_start3A_82 = tpu.memref_slice %arg4[%dma_start3A_80, %dma_start3A_81] : memref<1000000x128xf32, #tpu.memory_space<hbm>> -> memref<1000000x128xf32, #tpu.memory_space<hbm>>
    tpu.enqueue_indirect_dma source(%dma_start3A_82 : memref<1000000x128xf32, #tpu.memory_space<hbm>>) target(%arg10 : memref<128x128xf32, #tpu.memory_space<vmem>>) offsets(%dma_start3A_79 : memref<128xi32, #tpu.memory_space<vmem>>) semaphore(%arg12 : memref<!tpu.dma_semaphore, #tpu.memory_space<semaphore_mem>>)
    %dma_wait3A_83 = arith.constant 0 : i32
    %dma_wait3A_84 = arith.constant 0 : i32
    %dma_wait3A_85 = tpu.memref_slice %arg8[%dma_wait3A_83, %dma_wait3A_84] : memref<4x128xi32, #tpu.memory_space<vmem>> -> memref<1x128xi32, #tpu.memory_space<vmem>>
    %dma_wait3A_86 = tpu.memref_squeeze %dma_wait3A_85 : memref<1x128xi32, #tpu.memory_space<vmem>> -> memref<128xi32, #tpu.memory_space<vmem>>
    %dma_wait3A_87 = arith.constant 0 : i32
    %dma_wait3A_88 = arith.constant 0 : i32
    %dma_wait3A_89 = tpu.memref_slice %arg4[%dma_wait3A_87, %dma_wait3A_88] : memref<1000000x128xf32, #tpu.memory_space<hbm>> -> memref<1000000x128xf32, #tpu.memory_space<hbm>>
    tpu.wait_indirect_dma semaphore(%arg11 : memref<!tpu.dma_semaphore, #tpu.memory_space<semaphore_mem>>) src(%dma_wait3A_89 : memref<1000000x128xf32, #tpu.memory_space<hbm>>) dst(%arg9 : memref<128x128xf32, #tpu.memory_space<vmem>>)
    %add3A_90 = arith.constant 0 : i32
    %add3A_91 = arith.addi %mul3A_2, %add3A_90 : i32
    "tpu.region"() ({
      %run_scoped3A = tpu.sem_alloc : memref<!tpu.dma_semaphore, #tpu.memory_space<semaphore_mem>>
      %dma_start3A_133 = arith.constant 0 : i32
      %dma_start3A_134 = tpu.memref_slice %arg6[%add3A_91, %dma_start3A_133] : memref<16384x128xf32, #tpu.memory_space<hbm>> -> memref<128x128xf32, #tpu.memory_space<hbm>>
      %dma_start3A_135 = arith.constant 0 : i32
      %dma_start3A_136 = tpu.memref_slice %arg6[%add3A_91, %dma_start3A_135] : memref<16384x128xf32, #tpu.memory_space<hbm>> -> memref<128x128xf32, #tpu.memory_space<hbm>>
      tpu.enqueue_dma source(%arg9 : memref<128x128xf32, #tpu.memory_space<vmem>>) target(%dma_start3A_136 : memref<128x128xf32, #tpu.memory_space<hbm>>) target_semaphore(%run_scoped3A : memref<!tpu.dma_semaphore, #tpu.memory_space<semaphore_mem>>)
      %dma_wait3A_137 = arith.constant 0 : i32
      %dma_wait3A_138 = tpu.memref_slice %arg6[%add3A_91, %dma_wait3A_137] : memref<16384x128xf32, #tpu.memory_space<hbm>> -> memref<128x128xf32, #tpu.memory_space<hbm>>
      %dma_wait3A_139 = arith.constant 0 : i32
      %dma_wait3A_140 = tpu.memref_slice %arg6[%add3A_91, %dma_wait3A_139] : memref<16384x128xf32, #tpu.memory_space<hbm>> -> memref<128x128xf32, #tpu.memory_space<hbm>>
      tpu.wait_dma2 semaphore(%run_scoped3A : memref<!tpu.dma_semaphore, #tpu.memory_space<semaphore_mem>>) src(%arg9 : memref<128x128xf32, #tpu.memory_space<vmem>>) dst(%dma_wait3A_140 : memref<128x128xf32, #tpu.memory_space<hbm>>)
      tpu.yield
    }) : () -> ()
    %dma_start3A_92 = arith.constant 2 : i32
    %dma_start3A_93 = arith.constant 0 : i32
    %dma_start3A_94 = tpu.memref_slice %arg8[%dma_start3A_92, %dma_start3A_93] : memref<4x128xi32, #tpu.memory_space<vmem>> -> memref<1x128xi32, #tpu.memory_space<vmem>>
    %dma_start3A_95 = tpu.memref_squeeze %dma_start3A_94 : memref<1x128xi32, #tpu.memory_space<vmem>> -> memref<128xi32, #tpu.memory_space<vmem>>
    %dma_start3A_96 = arith.constant 0 : i32
    %dma_start3A_97 = arith.constant 0 : i32
    %dma_start3A_98 = tpu.memref_slice %arg4[%dma_start3A_96, %dma_start3A_97] : memref<1000000x128xf32, #tpu.memory_space<hbm>> -> memref<1000000x128xf32, #tpu.memory_space<hbm>>
    tpu.enqueue_indirect_dma source(%dma_start3A_98 : memref<1000000x128xf32, #tpu.memory_space<hbm>>) target(%arg9 : memref<128x128xf32, #tpu.memory_space<vmem>>) offsets(%dma_start3A_95 : memref<128xi32, #tpu.memory_space<vmem>>) semaphore(%arg11 : memref<!tpu.dma_semaphore, #tpu.memory_space<semaphore_mem>>)
    %dma_wait3A_99 = arith.constant 1 : i32
    %dma_wait3A_100 = arith.constant 0 : i32
    %dma_wait3A_101 = tpu.memref_slice %arg8[%dma_wait3A_99, %dma_wait3A_100] : memref<4x128xi32, #tpu.memory_space<vmem>> -> memref<1x128xi32, #tpu.memory_space<vmem>>
    %dma_wait3A_102 = tpu.memref_squeeze %dma_wait3A_101 : memref<1x128xi32, #tpu.memory_space<vmem>> -> memref<128xi32, #tpu.memory_space<vmem>>
    %dma_wait3A_103 = arith.constant 0 : i32
    %dma_wait3A_104 = arith.constant 0 : i32
    %dma_wait3A_105 = tpu.memref_slice %arg4[%dma_wait3A_103, %dma_wait3A_104] : memref<1000000x128xf32, #tpu.memory_space<hbm>> -> memref<1000000x128xf32, #tpu.memory_space<hbm>>
    tpu.wait_indirect_dma semaphore(%arg12 : memref<!tpu.dma_semaphore, #tpu.memory_space<semaphore_mem>>) src(%dma_wait3A_105 : memref<1000000x128xf32, #tpu.memory_space<hbm>>) dst(%arg10 : memref<128x128xf32, #tpu.memory_space<vmem>>)
    %add3A_106 = arith.constant 128 : i32
    %add3A_107 = arith.addi %mul3A_2, %add3A_106 : i32
    "tpu.region"() ({
      %run_scoped3A = tpu.sem_alloc : memref<!tpu.dma_semaphore, #tpu.memory_space<semaphore_mem>>
      %dma_start3A_133 = arith.constant 0 : i32
      %dma_start3A_134 = tpu.memref_slice %arg6[%add3A_107, %dma_start3A_133] : memref<16384x128xf32, #tpu.memory_space<hbm>> -> memref<128x128xf32, #tpu.memory_space<hbm>>
      %dma_start3A_135 = arith.constant 0 : i32
      %dma_start3A_136 = tpu.memref_slice %arg6[%add3A_107, %dma_start3A_135] : memref<16384x128xf32, #tpu.memory_space<hbm>> -> memref<128x128xf32, #tpu.memory_space<hbm>>
      tpu.enqueue_dma source(%arg10 : memref<128x128xf32, #tpu.memory_space<vmem>>) target(%dma_start3A_136 : memref<128x128xf32, #tpu.memory_space<hbm>>) target_semaphore(%run_scoped3A : memref<!tpu.dma_semaphore, #tpu.memory_space<semaphore_mem>>)
      %dma_wait3A_137 = arith.constant 0 : i32
      %dma_wait3A_138 = tpu.memref_slice %arg6[%add3A_107, %dma_wait3A_137] : memref<16384x128xf32, #tpu.memory_space<hbm>> -> memref<128x128xf32, #tpu.memory_space<hbm>>
      %dma_wait3A_139 = arith.constant 0 : i32
      %dma_wait3A_140 = tpu.memref_slice %arg6[%add3A_107, %dma_wait3A_139] : memref<16384x128xf32, #tpu.memory_space<hbm>> -> memref<128x128xf32, #tpu.memory_space<hbm>>
      tpu.wait_dma2 semaphore(%run_scoped3A : memref<!tpu.dma_semaphore, #tpu.memory_space<semaphore_mem>>) src(%arg10 : memref<128x128xf32, #tpu.memory_space<vmem>>) dst(%dma_wait3A_140 : memref<128x128xf32, #tpu.memory_space<hbm>>)
      tpu.yield
    }) : () -> ()
    %dma_start3A_108 = arith.constant 3 : i32
    %dma_start3A_109 = arith.constant 0 : i32
    %dma_start3A_110 = tpu.memref_slice %arg8[%dma_start3A_108, %dma_start3A_109] : memref<4x128xi32, #tpu.memory_space<vmem>> -> memref<1x128xi32, #tpu.memory_space<vmem>>
    %dma_start3A_111 = tpu.memref_squeeze %dma_start3A_110 : memref<1x128xi32, #tpu.memory_space<vmem>> -> memref<128xi32, #tpu.memory_space<vmem>>
    %dma_start3A_112 = arith.constant 0 : i32
    %dma_start3A_113 = arith.constant 0 : i32
    %dma_start3A_114 = tpu.memref_slice %arg4[%dma_start3A_112, %dma_start3A_113] : memref<1000000x128xf32, #tpu.memory_space<hbm>> -> memref<1000000x128xf32, #tpu.memory_space<hbm>>
    tpu.enqueue_indirect_dma source(%dma_start3A_114 : memref<1000000x128xf32, #tpu.memory_space<hbm>>) target(%arg10 : memref<128x128xf32, #tpu.memory_space<vmem>>) offsets(%dma_start3A_111 : memref<128xi32, #tpu.memory_space<vmem>>) semaphore(%arg12 : memref<!tpu.dma_semaphore, #tpu.memory_space<semaphore_mem>>)
    %dma_wait3A_115 = arith.constant 2 : i32
    %dma_wait3A_116 = arith.constant 0 : i32
    %dma_wait3A_117 = tpu.memref_slice %arg8[%dma_wait3A_115, %dma_wait3A_116] : memref<4x128xi32, #tpu.memory_space<vmem>> -> memref<1x128xi32, #tpu.memory_space<vmem>>
    %dma_wait3A_118 = tpu.memref_squeeze %dma_wait3A_117 : memref<1x128xi32, #tpu.memory_space<vmem>> -> memref<128xi32, #tpu.memory_space<vmem>>
    %dma_wait3A_119 = arith.constant 0 : i32
    %dma_wait3A_120 = arith.constant 0 : i32
    %dma_wait3A_121 = tpu.memref_slice %arg4[%dma_wait3A_119, %dma_wait3A_120] : memref<1000000x128xf32, #tpu.memory_space<hbm>> -> memref<1000000x128xf32, #tpu.memory_space<hbm>>
    tpu.wait_indirect_dma semaphore(%arg11 : memref<!tpu.dma_semaphore, #tpu.memory_space<semaphore_mem>>) src(%dma_wait3A_121 : memref<1000000x128xf32, #tpu.memory_space<hbm>>) dst(%arg9 : memref<128x128xf32, #tpu.memory_space<vmem>>)
    %add3A_122 = arith.constant 256 : i32
    %add3A_123 = arith.addi %mul3A_2, %add3A_122 : i32
    "tpu.region"() ({
      %run_scoped3A = tpu.sem_alloc : memref<!tpu.dma_semaphore, #tpu.memory_space<semaphore_mem>>
      %dma_start3A_133 = arith.constant 0 : i32
      %dma_start3A_134 = tpu.memref_slice %arg6[%add3A_123, %dma_start3A_133] : memref<16384x128xf32, #tpu.memory_space<hbm>> -> memref<128x128xf32, #tpu.memory_space<hbm>>
      %dma_start3A_135 = arith.constant 0 : i32
      %dma_start3A_136 = tpu.memref_slice %arg6[%add3A_123, %dma_start3A_135] : memref<16384x128xf32, #tpu.memory_space<hbm>> -> memref<128x128xf32, #tpu.memory_space<hbm>>
      tpu.enqueue_dma source(%arg9 : memref<128x128xf32, #tpu.memory_space<vmem>>) target(%dma_start3A_136 : memref<128x128xf32, #tpu.memory_space<hbm>>) target_semaphore(%run_scoped3A : memref<!tpu.dma_semaphore, #tpu.memory_space<semaphore_mem>>)
      %dma_wait3A_137 = arith.constant 0 : i32
      %dma_wait3A_138 = tpu.memref_slice %arg6[%add3A_123, %dma_wait3A_137] : memref<16384x128xf32, #tpu.memory_space<hbm>> -> memref<128x128xf32, #tpu.memory_space<hbm>>
      %dma_wait3A_139 = arith.constant 0 : i32
      %dma_wait3A_140 = tpu.memref_slice %arg6[%add3A_123, %dma_wait3A_139] : memref<16384x128xf32, #tpu.memory_space<hbm>> -> memref<128x128xf32, #tpu.memory_space<hbm>>
      tpu.wait_dma2 semaphore(%run_scoped3A : memref<!tpu.dma_semaphore, #tpu.memory_space<semaphore_mem>>) src(%arg9 : memref<128x128xf32, #tpu.memory_space<vmem>>) dst(%dma_wait3A_140 : memref<128x128xf32, #tpu.memory_space<hbm>>)
      tpu.yield
    }) : () -> ()
    %dma_wait3A_124 = arith.constant 3 : i32
    %dma_wait3A_125 = arith.constant 0 : i32
    %dma_wait3A_126 = tpu.memref_slice %arg8[%dma_wait3A_124, %dma_wait3A_125] : memref<4x128xi32, #tpu.memory_space<vmem>> -> memref<1x128xi32, #tpu.memory_space<vmem>>
    %dma_wait3A_127 = tpu.memref_squeeze %dma_wait3A_126 : memref<1x128xi32, #tpu.memory_space<vmem>> -> memref<128xi32, #tpu.memory_space<vmem>>
    %dma_wait3A_128 = arith.constant 0 : i32
    %dma_wait3A_129 = arith.constant 0 : i32
    %dma_wait3A_130 = tpu.memref_slice %arg4[%dma_wait3A_128, %dma_wait3A_129] : memref<1000000x128xf32, #tpu.memory_space<hbm>> -> memref<1000000x128xf32, #tpu.memory_space<hbm>>
    tpu.wait_indirect_dma semaphore(%arg12 : memref<!tpu.dma_semaphore, #tpu.memory_space<semaphore_mem>>) src(%dma_wait3A_130 : memref<1000000x128xf32, #tpu.memory_space<hbm>>) dst(%arg10 : memref<128x128xf32, #tpu.memory_space<vmem>>)
    %add3A_131 = arith.constant 384 : i32
    %add3A_132 = arith.addi %mul3A_2, %add3A_131 : i32
    "tpu.region"() ({
      %run_scoped3A = tpu.sem_alloc : memref<!tpu.dma_semaphore, #tpu.memory_space<semaphore_mem>>
      %dma_start3A_133 = arith.constant 0 : i32
      %dma_start3A_134 = tpu.memref_slice %arg6[%add3A_132, %dma_start3A_133] : memref<16384x128xf32, #tpu.memory_space<hbm>> -> memref<128x128xf32, #tpu.memory_space<hbm>>
      %dma_start3A_135 = arith.constant 0 : i32
      %dma_start3A_136 = tpu.memref_slice %arg6[%add3A_132, %dma_start3A_135] : memref<16384x128xf32, #tpu.memory_space<hbm>> -> memref<128x128xf32, #tpu.memory_space<hbm>>
      tpu.enqueue_dma source(%arg10 : memref<128x128xf32, #tpu.memory_space<vmem>>) target(%dma_start3A_136 : memref<128x128xf32, #tpu.memory_space<hbm>>) target_semaphore(%run_scoped3A : memref<!tpu.dma_semaphore, #tpu.memory_space<semaphore_mem>>)
      %dma_wait3A_137 = arith.constant 0 : i32
      %dma_wait3A_138 = tpu.memref_slice %arg6[%add3A_132, %dma_wait3A_137] : memref<16384x128xf32, #tpu.memory_space<hbm>> -> memref<128x128xf32, #tpu.memory_space<hbm>>
      %dma_wait3A_139 = arith.constant 0 : i32
      %dma_wait3A_140 = tpu.memref_slice %arg6[%add3A_132, %dma_wait3A_139] : memref<16384x128xf32, #tpu.memory_space<hbm>> -> memref<128x128xf32, #tpu.memory_space<hbm>>
      tpu.wait_dma2 semaphore(%run_scoped3A : memref<!tpu.dma_semaphore, #tpu.memory_space<semaphore_mem>>) src(%arg10 : memref<128x128xf32, #tpu.memory_space<vmem>>) dst(%dma_wait3A_140 : memref<128x128xf32, #tpu.memory_space<hbm>>)
      tpu.yield
    }) : () -> ()
    return
  }
}

module attributes {stable_mosaic.version = 14 : i64} {
  func.func @_pack_body(%arg0: i32, %arg1: memref<64x12288xf32, #tpu.memory_space<vmem>>, %arg2: memref<64x12288xf32, #tpu.memory_space<vmem>>, %arg3: memref<64x12288xf32, #tpu.memory_space<vmem>>, %arg4: memref<64x12288xf32, #tpu.memory_space<vmem>>, %arg5: memref<12288x128xf32, #tpu.memory_space<vmem>>) attributes {dimension_semantics = [#tpu.dimension_semantics<arbitrary>], iteration_bounds = array<i64: 82>, scalar_prefetch = 0 : i64, scratch_operands = 0 : i64, tpu.core_type = #tpu.core_type<tc>, window_params = [{transform_indices = @transform_0, window_bounds = array<i64: 64, 12288>}, {transform_indices = @transform_1, window_bounds = array<i64: 64, 12288>}, {transform_indices = @transform_2, window_bounds = array<i64: 64, 12288>}, {transform_indices = @transform_3, window_bounds = array<i64: 64, 12288>}, {transform_indices = @transform_4, window_bounds = array<i64: 12288, 128>}]} {
    %get3A = arith.constant 0 : index
    %get3A_0 = arith.constant 0 : index
    %get3A_1 = vector.load %arg1[%get3A, %get3A_0] : memref<64x12288xf32, #tpu.memory_space<vmem>>, vector<64x12288xf32>
    %transpose3A = tpu.transpose %get3A_1, [1, 0] : vector<64x12288xf32> -> vector<12288x64xf32>
    %bitcast_convert_type3A = tpu.bitcast %transpose3A : vector<12288x64xf32> -> vector<12288x64xi32>
    %add3A = arith.constant 32768 : i32
    %add3A_2 = vector.broadcast %add3A : i32 to vector<12288x64xi32>
    %add3A_3 = arith.addi %bitcast_convert_type3A, %add3A_2 : vector<12288x64xi32>
    %and3A = arith.constant -65536 : i32
    %and3A_4 = vector.broadcast %and3A : i32 to vector<12288x64xi32>
    %and3A_5 = arith.andi %add3A_3, %and3A_4 : vector<12288x64xi32>
    %get3A_6 = arith.constant 0 : index
    %get3A_7 = arith.constant 0 : index
    %get3A_8 = vector.load %arg2[%get3A_6, %get3A_7] : memref<64x12288xf32, #tpu.memory_space<vmem>>, vector<64x12288xf32>
    %transpose3A_9 = tpu.transpose %get3A_8, [1, 0] : vector<64x12288xf32> -> vector<12288x64xf32>
    %bitcast_convert_type3A_10 = tpu.bitcast %transpose3A_9 : vector<12288x64xf32> -> vector<12288x64xi32>
    %add3A_11 = arith.constant 32768 : i32
    %add3A_12 = vector.broadcast %add3A_11 : i32 to vector<12288x64xi32>
    %add3A_13 = arith.addi %bitcast_convert_type3A_10, %add3A_12 : vector<12288x64xi32>
    %and3A_14 = arith.constant -65536 : i32
    %and3A_15 = vector.broadcast %and3A_14 : i32 to vector<12288x64xi32>
    %and3A_16 = arith.andi %add3A_13, %and3A_15 : vector<12288x64xi32>
    %shift_right_logical3A = arith.constant 16 : i32
    %shift_right_logical3A_17 = vector.broadcast %shift_right_logical3A : i32 to vector<12288x64xi32>
    %shift_right_logical3A_18 = arith.shrui %and3A_16, %shift_right_logical3A_17 : vector<12288x64xi32>
    %or3A = arith.ori %and3A_5, %shift_right_logical3A_18 : vector<12288x64xi32>
    %bitcast_convert_type3A_19 = tpu.bitcast %or3A : vector<12288x64xi32> -> vector<12288x64xf32>
    %swap3A = arith.constant 0 : index
    %swap3A_20 = arith.constant 0 : index
    %swap3A_21 = vector.load %arg5[%swap3A, %swap3A_20] : memref<12288x128xf32, #tpu.memory_space<vmem>>, vector<12288x64xf32>
    tpu.vector_store %arg5[%swap3A, %swap3A_20], %bitcast_convert_type3A_19 {strides = array<i32>} : memref<12288x128xf32, #tpu.memory_space<vmem>>, vector<12288x64xf32>,
    %get3A_22 = arith.constant 0 : index
    %get3A_23 = arith.constant 0 : index
    %get3A_24 = vector.load %arg3[%get3A_22, %get3A_23] : memref<64x12288xf32, #tpu.memory_space<vmem>>, vector<64x12288xf32>
    %transpose3A_25 = tpu.transpose %get3A_24, [1, 0] : vector<64x12288xf32> -> vector<12288x64xf32>
    %bitcast_convert_type3A_26 = tpu.bitcast %transpose3A_25 : vector<12288x64xf32> -> vector<12288x64xi32>
    %add3A_27 = arith.constant 32768 : i32
    %add3A_28 = vector.broadcast %add3A_27 : i32 to vector<12288x64xi32>
    %add3A_29 = arith.addi %bitcast_convert_type3A_26, %add3A_28 : vector<12288x64xi32>
    %and3A_30 = arith.constant -65536 : i32
    %and3A_31 = vector.broadcast %and3A_30 : i32 to vector<12288x64xi32>
    %and3A_32 = arith.andi %add3A_29, %and3A_31 : vector<12288x64xi32>
    %get3A_33 = arith.constant 0 : index
    %get3A_34 = arith.constant 0 : index
    %get3A_35 = vector.load %arg4[%get3A_33, %get3A_34] : memref<64x12288xf32, #tpu.memory_space<vmem>>, vector<64x12288xf32>
    %transpose3A_36 = tpu.transpose %get3A_35, [1, 0] : vector<64x12288xf32> -> vector<12288x64xf32>
    %bitcast_convert_type3A_37 = tpu.bitcast %transpose3A_36 : vector<12288x64xf32> -> vector<12288x64xi32>
    %add3A_38 = arith.constant 32768 : i32
    %add3A_39 = vector.broadcast %add3A_38 : i32 to vector<12288x64xi32>
    %add3A_40 = arith.addi %bitcast_convert_type3A_37, %add3A_39 : vector<12288x64xi32>
    %and3A_41 = arith.constant -65536 : i32
    %and3A_42 = vector.broadcast %and3A_41 : i32 to vector<12288x64xi32>
    %and3A_43 = arith.andi %add3A_40, %and3A_42 : vector<12288x64xi32>
    %shift_right_logical3A_44 = arith.constant 16 : i32
    %shift_right_logical3A_45 = vector.broadcast %shift_right_logical3A_44 : i32 to vector<12288x64xi32>
    %shift_right_logical3A_46 = arith.shrui %and3A_43, %shift_right_logical3A_45 : vector<12288x64xi32>
    %or3A_47 = arith.ori %and3A_32, %shift_right_logical3A_46 : vector<12288x64xi32>
    %bitcast_convert_type3A_48 = tpu.bitcast %or3A_47 : vector<12288x64xi32> -> vector<12288x64xf32>
    %swap3A_49 = arith.constant 0 : index
    %swap3A_50 = arith.constant 64 : index
    %swap3A_51 = vector.load %arg5[%swap3A_49, %swap3A_50] : memref<12288x128xf32, #tpu.memory_space<vmem>>, vector<12288x64xf32>
    tpu.vector_store %arg5[%swap3A_49, %swap3A_50], %bitcast_convert_type3A_48 {strides = array<i32>} : memref<12288x128xf32, #tpu.memory_space<vmem>>, vector<12288x64xf32>,
    return
  }
  func.func @transform_0(%arg0: i32) -> (i32, i32) {
    %c0_i32 = arith.constant 0 : i32
    %c0_i32_0 = arith.constant 0 : i32
    return %c0_i32, %arg0 : i32, i32
  }
  func.func @transform_1(%arg0: i32) -> (i32, i32) {
    %c0_i32 = arith.constant 0 : i32
    %c0_i32_0 = arith.constant 0 : i32
    return %c0_i32, %arg0 : i32, i32
  }
  func.func @transform_2(%arg0: i32) -> (i32, i32) {
    %c0_i32 = arith.constant 0 : i32
    %c0_i32_0 = arith.constant 0 : i32
    return %c0_i32, %arg0 : i32, i32
  }
  func.func @transform_3(%arg0: i32) -> (i32, i32) {
    %c0_i32 = arith.constant 0 : i32
    %c0_i32_0 = arith.constant 0 : i32
    return %c0_i32, %arg0 : i32, i32
  }
  func.func @transform_4(%arg0: i32) -> (i32, i32) {
    %c0_i32 = arith.constant 0 : i32
    %c0_i32_0 = arith.constant 0 : i32
    return %arg0, %c0_i32 : i32, i32
  }
}

module attributes {stable_mosaic.version = 14 : i64} {
  func.func @_mlp_body(%arg0: i32, %arg1: memref<2048x128xf32, #tpu.memory_space<vmem>>, %arg2: memref<2048x128xf32, #tpu.memory_space<vmem>>, %arg3: memref<64x128xf32, #tpu.memory_space<vmem>>, %arg4: memref<64x128xf32, #tpu.memory_space<vmem>>, %arg5: memref<1x128xf32, #tpu.memory_space<vmem>>, %arg6: memref<128x64xf32, #tpu.memory_space<vmem>>, %arg7: memref<1x64xf32, #tpu.memory_space<vmem>>, %arg8: memref<64x64xf32, #tpu.memory_space<vmem>>, %arg9: memref<1x64xf32, #tpu.memory_space<vmem>>, %arg10: memref<64x1xf32, #tpu.memory_space<vmem>>, %arg11: memref<64x1xf32, #tpu.memory_space<vmem>>, %arg12: memref<1x1xf32, #tpu.memory_space<vmem>>, %arg13: memref<2048x1xf32, #tpu.memory_space<vmem>>) attributes {dimension_semantics = [#tpu.dimension_semantics<arbitrary>], iteration_bounds = array<i64: 8>, scalar_prefetch = 0 : i64, scratch_operands = 0 : i64, tpu.core_type = #tpu.core_type<tc>, window_params = [{transform_indices = @transform_0, window_bounds = array<i64: 2048, 128>}, {transform_indices = @transform_1, window_bounds = array<i64: 2048, 128>}, {pipeline_mode = #tpu.pipeline_mode<synchronous>, transform_indices = @transform_2, window_bounds = array<i64: 64, 128>}, {pipeline_mode = #tpu.pipeline_mode<synchronous>, transform_indices = @transform_3, window_bounds = array<i64: 64, 128>}, {pipeline_mode = #tpu.pipeline_mode<synchronous>, transform_indices = @transform_4, window_bounds = array<i64: 1, 128>}, {pipeline_mode = #tpu.pipeline_mode<synchronous>, transform_indices = @transform_5, window_bounds = array<i64: 128, 64>}, {pipeline_mode = #tpu.pipeline_mode<synchronous>, transform_indices = @transform_6, window_bounds = array<i64: 1, 64>}, {pipeline_mode = #tpu.pipeline_mode<synchronous>, transform_indices = @transform_7, window_bounds = array<i64: 64, 64>}, {pipeline_mode = #tpu.pipeline_mode<synchronous>, transform_indices = @transform_8, window_bounds = array<i64: 1, 64>}, {pipeline_mode = #tpu.pipeline_mode<synchronous>, transform_indices = @transform_9, window_bounds = array<i64: 64, 1>}, {pipeline_mode = #tpu.pipeline_mode<synchronous>, transform_indices = @transform_10, window_bounds = array<i64: 64, 1>}, {pipeline_mode = #tpu.pipeline_mode<synchronous>, transform_indices = @transform_11, window_bounds = array<i64: 1, 1>}, {transform_indices = @transform_12, window_bounds = array<i64: 2048, 1>}]} {
    %get3A = arith.constant 0 : index
    %get3A_0 = arith.constant 0 : index
    %get3A_1 = vector.load %arg1[%get3A, %get3A_0] : memref<2048x128xf32, #tpu.memory_space<vmem>>, vector<2048x64xf32>
    %bitcast_convert_type3A = tpu.bitcast %get3A_1 : vector<2048x64xf32> -> vector<2048x64xi32>
    %and3A = arith.constant -65536 : i32
    %and3A_2 = vector.broadcast %and3A : i32 to vector<2048x64xi32>
    %and3A_3 = arith.andi %bitcast_convert_type3A, %and3A_2 : vector<2048x64xi32>
    %bitcast_convert_type3A_4 = tpu.bitcast %and3A_3 : vector<2048x64xi32> -> vector<2048x64xf32>
    %shift_left3A = arith.constant 16 : i32
    %shift_left3A_5 = vector.broadcast %shift_left3A : i32 to vector<2048x64xi32>
    %shift_left3A_6 = arith.shli %bitcast_convert_type3A, %shift_left3A_5 : vector<2048x64xi32>
    %bitcast_convert_type3A_7 = tpu.bitcast %shift_left3A_6 : vector<2048x64xi32> -> vector<2048x64xf32>
    %get3A_8 = arith.constant 0 : index
    %get3A_9 = arith.constant 64 : index
    %get3A_10 = vector.load %arg2[%get3A_8, %get3A_9] : memref<2048x128xf32, #tpu.memory_space<vmem>>, vector<2048x64xf32>
    %bitcast_convert_type3A_11 = tpu.bitcast %get3A_10 : vector<2048x64xf32> -> vector<2048x64xi32>
    %and3A_12 = arith.constant -65536 : i32
    %and3A_13 = vector.broadcast %and3A_12 : i32 to vector<2048x64xi32>
    %and3A_14 = arith.andi %bitcast_convert_type3A_11, %and3A_13 : vector<2048x64xi32>
    %bitcast_convert_type3A_15 = tpu.bitcast %and3A_14 : vector<2048x64xi32> -> vector<2048x64xf32>
    %shift_left3A_16 = arith.constant 16 : i32
    %shift_left3A_17 = vector.broadcast %shift_left3A_16 : i32 to vector<2048x64xi32>
    %shift_left3A_18 = arith.shli %bitcast_convert_type3A_11, %shift_left3A_17 : vector<2048x64xi32>
    %bitcast_convert_type3A_19 = tpu.bitcast %shift_left3A_18 : vector<2048x64xi32> -> vector<2048x64xf32>
    %get3A_20 = arith.constant 0 : index
    %get3A_21 = arith.constant 0 : index
    %get3A_22 = vector.load %arg3[%get3A_20, %get3A_21] : memref<64x128xf32, #tpu.memory_space<vmem>>, vector<64x128xf32>
    %dot_general3A = arith.constant dense<0.000000e+00> : vector<2048x128xf32>
    %dot_general3A_23 = tpu.matmul %bitcast_convert_type3A_7, %get3A_22, %dot_general3A {dimension_numbers = #tpu.dot_dimension_numbers<[1], [0], [0], [1], [0, 0, 1, 1], [], []>, transpose_lhs_hint = false} : vector<2048x64xf32>, vector<64x128xf32>, vector<2048x128xf32> -> vector<2048x128xf32>
    %get3A_24 = arith.constant 0 : index
    %get3A_25 = arith.constant 0 : index
    %get3A_26 = vector.load %arg4[%get3A_24, %get3A_25] : memref<64x128xf32, #tpu.memory_space<vmem>>, vector<64x128xf32>
    %dot_general3A_27 = arith.constant dense<0.000000e+00> : vector<2048x128xf32>
    %dot_general3A_28 = tpu.matmul %bitcast_convert_type3A_19, %get3A_26, %dot_general3A_27 {dimension_numbers = #tpu.dot_dimension_numbers<[1], [0], [0], [1], [0, 0, 1, 1], [], []>, transpose_lhs_hint = false} : vector<2048x64xf32>, vector<64x128xf32>, vector<2048x128xf32> -> vector<2048x128xf32>
    %add3A = arith.addf %dot_general3A_23, %dot_general3A_28 : vector<2048x128xf32>
    %get3A_29 = arith.constant 0 : index
    %get3A_30 = arith.constant 0 : index
    %get3A_31 = vector.load %arg5[%get3A_29, %get3A_30] : memref<1x128xf32, #tpu.memory_space<vmem>>, vector<1x128xf32>
    %add3A_32 = vector.broadcast %get3A_31 : vector<1x128xf32> to vector<2048x128xf32>
    %add3A_33 = arith.addf %add3A, %add3A_32 : vector<2048x128xf32>
    %max3A = arith.constant 0.000000e+00 : f32
    %max3A_34 = vector.broadcast %max3A : f32 to vector<2048x128xf32>
    %max3A_35 = arith.maximumf %add3A_33, %max3A_34 : vector<2048x128xf32>
    %get3A_36 = arith.constant 0 : index
    %get3A_37 = arith.constant 0 : index
    %get3A_38 = vector.load %arg6[%get3A_36, %get3A_37] : memref<128x64xf32, #tpu.memory_space<vmem>>, vector<128x64xf32>
    %dot_general3A_39 = arith.constant dense<0.000000e+00> : vector<2048x64xf32>
    %dot_general3A_40 = tpu.matmul %max3A_35, %get3A_38, %dot_general3A_39 {dimension_numbers = #tpu.dot_dimension_numbers<[1], [0], [0], [1], [0, 0, 1, 1], [], []>, transpose_lhs_hint = false} : vector<2048x128xf32>, vector<128x64xf32>, vector<2048x64xf32> -> vector<2048x64xf32>
    %get3A_41 = arith.constant 0 : index
    %get3A_42 = arith.constant 0 : index
    %get3A_43 = vector.load %arg7[%get3A_41, %get3A_42] : memref<1x64xf32, #tpu.memory_space<vmem>>, vector<1x64xf32>
    %add3A_44 = vector.broadcast %get3A_43 : vector<1x64xf32> to vector<2048x64xf32>
    %add3A_45 = arith.addf %dot_general3A_40, %add3A_44 : vector<2048x64xf32>
    %max3A_46 = arith.constant 0.000000e+00 : f32
    %max3A_47 = vector.broadcast %max3A_46 : f32 to vector<2048x64xf32>
    %max3A_48 = arith.maximumf %add3A_45, %max3A_47 : vector<2048x64xf32>
    %get3A_49 = arith.constant 0 : index
    %get3A_50 = arith.constant 0 : index
    %get3A_51 = vector.load %arg8[%get3A_49, %get3A_50] : memref<64x64xf32, #tpu.memory_space<vmem>>, vector<64x64xf32>
    %dot_general3A_52 = arith.constant dense<0.000000e+00> : vector<2048x64xf32>
    %dot_general3A_53 = tpu.matmul %max3A_48, %get3A_51, %dot_general3A_52 {dimension_numbers = #tpu.dot_dimension_numbers<[1], [0], [0], [1], [0, 0, 1, 1], [], []>, transpose_lhs_hint = false} : vector<2048x64xf32>, vector<64x64xf32>, vector<2048x64xf32> -> vector<2048x64xf32>
    %get3A_54 = arith.constant 0 : index
    %get3A_55 = arith.constant 0 : index
    %get3A_56 = vector.load %arg9[%get3A_54, %get3A_55] : memref<1x64xf32, #tpu.memory_space<vmem>>, vector<1x64xf32>
    %add3A_57 = vector.broadcast %get3A_56 : vector<1x64xf32> to vector<2048x64xf32>
    %add3A_58 = arith.addf %dot_general3A_53, %add3A_57 : vector<2048x64xf32>
    %max3A_59 = arith.constant 0.000000e+00 : f32
    %max3A_60 = vector.broadcast %max3A_59 : f32 to vector<2048x64xf32>
    %max3A_61 = arith.maximumf %add3A_58, %max3A_60 : vector<2048x64xf32>
    %mul3A = arith.mulf %bitcast_convert_type3A_4, %bitcast_convert_type3A_15 : vector<2048x64xf32>
    %get3A_62 = arith.constant 0 : index
    %get3A_63 = arith.constant 0 : index
    %get3A_64 = vector.load %arg10[%get3A_62, %get3A_63] : memref<64x1xf32, #tpu.memory_space<vmem>>, vector<64x1xf32>
    %dot_general3A_65 = arith.constant dense<0.000000e+00> : vector<2048x1xf32>
    %dot_general3A_66 = tpu.matmul %mul3A, %get3A_64, %dot_general3A_65 {dimension_numbers = #tpu.dot_dimension_numbers<[1], [0], [0], [1], [0, 0, 1, 1], [], []>, transpose_lhs_hint = false} : vector<2048x64xf32>, vector<64x1xf32>, vector<2048x1xf32> -> vector<2048x1xf32>
    %get3A_67 = arith.constant 0 : index
    %get3A_68 = arith.constant 0 : index
    %get3A_69 = vector.load %arg11[%get3A_67, %get3A_68] : memref<64x1xf32, #tpu.memory_space<vmem>>, vector<64x1xf32>
    %dot_general3A_70 = arith.constant dense<0.000000e+00> : vector<2048x1xf32>
    %dot_general3A_71 = tpu.matmul %max3A_61, %get3A_69, %dot_general3A_70 {dimension_numbers = #tpu.dot_dimension_numbers<[1], [0], [0], [1], [0, 0, 1, 1], [], []>, transpose_lhs_hint = false} : vector<2048x64xf32>, vector<64x1xf32>, vector<2048x1xf32> -> vector<2048x1xf32>
    %add3A_72 = arith.addf %dot_general3A_66, %dot_general3A_71 : vector<2048x1xf32>
    %get3A_73 = arith.constant 0 : index
    %get3A_74 = arith.constant 0 : index
    %get3A_75 = vector.load %arg12[%get3A_73, %get3A_74] : memref<1x1xf32, #tpu.memory_space<vmem>>, vector<1x1xf32>
    %add3A_76 = vector.broadcast %get3A_75 : vector<1x1xf32> to vector<2048x1xf32>
    %add3A_77 = arith.addf %add3A_72, %add3A_76 : vector<2048x1xf32>
    %swap3A = arith.constant 0 : index
    %swap3A_78 = arith.constant 0 : index
    %swap3A_79 = vector.load %arg13[%swap3A, %swap3A_78] : memref<2048x1xf32, #tpu.memory_space<vmem>>, vector<2048x1xf32>
    tpu.vector_store %arg13[%swap3A, %swap3A_78], %add3A_77 {strides = array<i32>} : memref<2048x1xf32, #tpu.memory_space<vmem>>, vector<2048x1xf32>,
    return
  }
  func.func @transform_0(%arg0: i32) -> (i32, i32) {
    %c0_i32 = arith.constant 0 : i32
    %c0_i32_0 = arith.constant 0 : i32
    return %arg0, %c0_i32 : i32, i32
  }
  func.func @transform_1(%arg0: i32) -> (i32, i32) {
    %c0_i32 = arith.constant 0 : i32
    %c0_i32_0 = arith.constant 0 : i32
    return %arg0, %c0_i32 : i32, i32
  }
  func.func @transform_2(%arg0: i32) -> (i32, i32) {
    %c0_i32 = arith.constant 0 : i32
    %c0_i32_0 = arith.constant 0 : i32
    %c0_i32_1 = arith.constant 0 : i32
    return %c0_i32, %c0_i32_0 : i32, i32
  }
  func.func @transform_3(%arg0: i32) -> (i32, i32) {
    %c0_i32 = arith.constant 0 : i32
    %c0_i32_0 = arith.constant 0 : i32
    %c0_i32_1 = arith.constant 0 : i32
    return %c0_i32, %c0_i32_0 : i32, i32
  }
  func.func @transform_4(%arg0: i32) -> (i32, i32) {
    %c0_i32 = arith.constant 0 : i32
    %c0_i32_0 = arith.constant 0 : i32
    %c0_i32_1 = arith.constant 0 : i32
    return %c0_i32, %c0_i32_0 : i32, i32
  }
  func.func @transform_5(%arg0: i32) -> (i32, i32) {
    %c0_i32 = arith.constant 0 : i32
    %c0_i32_0 = arith.constant 0 : i32
    %c0_i32_1 = arith.constant 0 : i32
    return %c0_i32, %c0_i32_0 : i32, i32
  }
  func.func @transform_6(%arg0: i32) -> (i32, i32) {
    %c0_i32 = arith.constant 0 : i32
    %c0_i32_0 = arith.constant 0 : i32
    %c0_i32_1 = arith.constant 0 : i32
    return %c0_i32, %c0_i32_0 : i32, i32
  }
  func.func @transform_7(%arg0: i32) -> (i32, i32) {
    %c0_i32 = arith.constant 0 : i32
    %c0_i32_0 = arith.constant 0 : i32
    %c0_i32_1 = arith.constant 0 : i32
    return %c0_i32, %c0_i32_0 : i32, i32
  }
  func.func @transform_8(%arg0: i32) -> (i32, i32) {
    %c0_i32 = arith.constant 0 : i32
    %c0_i32_0 = arith.constant 0 : i32
    %c0_i32_1 = arith.constant 0 : i32
    return %c0_i32, %c0_i32_0 : i32, i32
  }
  func.func @transform_9(%arg0: i32) -> (i32, i32) {
    %c0_i32 = arith.constant 0 : i32
    %c0_i32_0 = arith.constant 0 : i32
    %c0_i32_1 = arith.constant 0 : i32
    return %c0_i32, %c0_i32_0 : i32, i32
  }
  func.func @transform_10(%arg0: i32) -> (i32, i32) {
    %c0_i32 = arith.constant 0 : i32
    %c0_i32_0 = arith.constant 0 : i32
    %c0_i32_1 = arith.constant 0 : i32
    return %c0_i32, %c0_i32_0 : i32, i32
  }
  func.func @transform_11(%arg0: i32) -> (i32, i32) {
    %c0_i32 = arith.constant 0 : i32
    %c0_i32_0 = arith.constant 0 : i32
    %c0_i32_1 = arith.constant 0 : i32
    return %c0_i32, %c0_i32_0 : i32, i32
  }
  func.func @transform_12(%arg0: i32) -> (i32, i32) {
    %c0_i32 = arith.constant 0 : i32
    %c0_i32_0 = arith.constant 0 : i32
    return %arg0, %c0_i32 : i32, i32
  }
}

</mosaic_0001>

<sc_bundles>
// kernel: kernel.5.cloned.1.call-start
scs
__scs_entry_jumppad:
0x0: {  	(pc) =	sbr.rel $0x88, $3  }
0x1: {  	(tag) =	ssettag $0x0;
	lr =	simm.s32 $0x1  }
0x2: {  	[smem:$0x3F93] =	sst lr;
	_ =	strace $0xD0000000  }
0x3: {  	_ = 	snop  }
0x4: {  	_ = 	snop  }
0x5: {  	_ = 	snop  }
0x6: {  	_ = 	snop  }
0x7: {  	_ = 	snop  }
__scs_overlays_trampoline_lowered:
0x8: {  	[smem:$0x3FA2] =	sst s0  }
0x9: {  	[smem:$0x3FA3] =	sst s1  }
0xa: {  	[smem:$0x3FA4] =	sst s2  }
0xb: {  	[smem:$0x3FA5] =	sst s3  }
0xc: {  	[smem:$0x3FA6] =	sst s4  }
0xd: {  	[smem:$0x3FA7] =	sst s5  }
0xe: {  	[smem:$0x3FA8] =	sst s6  }
0xf: {  	[smem:$0x3FA9] =	sst s7  }
0x10: {  	[smem:$0x3FAA] =	sst s8  }
0x11: {  	[smem:$0x3FAB] =	sst s9;
	s0 =	simm.s32 @!p0 $0x0  }
0x12: {  	s1 =	sld [smem:$0x3F91];
	s0 =	simm.s32 @p0 $0x1  }
0x13: {  	[smem:$0x3FAC] =	sst s0;
	s0 =	simm.s32 @!p1 $0x0  }
0x14: {  	s2 =	sld [smem:$0x3F90];
	s0 =	simm.s32 @p1 $0x1  }
0x15: {  	[smem:$0x3FAD] =	sst s0;
	s0 =	simm.s32 @!p2 $0x0  }
0x16: {  	s3 =	sld [smem:$0x3FDB];
	s0 =	simm.s32 @p2 $0x1  }
0x17: {  	s4 =	simm.s32 $0x1BF5;
	[smem:$0x3FAF] =	sst s0  }
0x18: {  	s0 =	sld [smem:$0x3F92];
	_ =	swait.ge [sflag:s4], $0x0  }
0x19: {  	s7 =	sld [smem:$0x3F93]  }
0x1a: {  	s8 =	sadd.s32 $0xFFFFE003, lr  }
0x1b: {  	s9 =	sadd.s32 $0xFFFFFEF7, lr;
	s5 =	simm.s32 $0xFFFFFFFF;
	p2 =	slt.u32 s8, $0xFFFFF086  }
0x1c: {  	p1 =	slt.u32 s9, $0xF7A;
	s5 =	simm.s32 @!p2 $0x0  }
0x1d: {  	s5 =	simm.s32 @p1 $0x1;
	p0 =	seq.s32 s7, s2  }
0x1e: {  	s7 =	smul.u32 @!p0 $0xF7A, s2;
	p2 =	seq.s32 @!p0 s5, $0x0  }
0x1f: {  	s9 =	smul.u32 $0xF7A, s1;
	s8 =	simm.s32 @!p0 $0x1BF5;
	p2 =	por !p2, p0  }
0x20: {  	[sflag:s8] =	ssyncset.s32 @!p0 $0xFFFFF086;
	s6 =	sadd.s32 @!p0 s3, s7;
	s7 =	simm.s32 @!p0 $0x108  }
0x21: {  	s3 =	sadd.s32 s3, s9;
	s6 =	sadd.s32 @!p0 $0x88, s6;
	s7 =	simm.s32 @p2 $0x1082  }
0x22: {  	[simem:s7], [sflag:s8] =	dma.local @!p0 [hbm:s6], $0xF7A  }
0x23: {  	s9 =	sor.u32 $0xD0000000, s2;
	s6 =	simm.s32 $0x108;
	_ =	swait.ge @!p0 [sflag:s8], $0x0  }
0x24: {  	s3 =	sadd.s32 $0x88, s3;
	s6 =	simm.s32 @!p1 $0x1082;
	[sflag:s4] =	ssyncset.s32 $0xFFFFF086  }
0x25: {  	[simem:s6], [sflag:s4] =	dma.local [hbm:s3], $0xF7A  }
0x26: {  	[smem:$0x3F93] =	sst s1;
	(tag) =	ssettag s2;
	_ =	strace s9  }
0x27: {  	s1 =	sld [smem:$0x3FA3]  }
0x28: {  	s2 =	sld [smem:$0x3FA4]  }
0x29: {  	s4 =	sld [smem:$0x3FA6]  }
0x2a: {  	p0 =	seq.s32 s5, $0x0;
	s5 =	sld [smem:$0x3FA7]  }
0x2b: {  	s6 =	sld [smem:$0x3FA8]  }
0x2c: {  	s7 =	sld [smem:$0x3FA9]  }
0x2d: {  	s3 =	simm.s32 $0x108;
	s8 =	sld [smem:$0x3FAA]  }
0x2e: {  	s3 =	simm.s32 @!p0 $0x1082;
	s9 =	sld [smem:$0x3FAB]  }
0x2f: {  	lr =	sadd.s32 s0, s3;
	s0 =	sld [smem:$0x3FA2]  }
0x30: {  	s3 =	sld [smem:$0x3FA5]  }
0x31: {  	[smem:$0x3FAE] =	sst s10  }
0x32: {  	s10 =	sld [smem:$0x3FAC];
	_ =	sdelay $0x3  }
0x33: {  	p0 =	seq.s32 s10, $0x1;
	s10 =	sld [smem:$0x3FAE];
	_ =	sdelay $0x3  }
0x34: {  	[smem:$0x3FAE] =	sst s10  }
0x35: {  	s10 =	sld [smem:$0x3FAD];
	_ =	sdelay $0x3  }
0x36: {  	p1 =	seq.s32 s10, $0x1;
	s10 =	sld [smem:$0x3FAE];
	_ =	sdelay $0x3  }
0x37: {  	[smem:$0x3FAE] =	sst s10  }
0x38: {  	s10 =	sld [smem:$0x3FAF]  }
0x39: {  	_ = 	snop;
	(pc) =	sbr.ind lr, $3  }
0x3a: {  	_ = 	snop  }
0x3b: {  	_ = 	snop  }
0x3c: {  	p2 =	seq.s32 s10, $0x1;
	s10 =	sld [smem:$0x3FAE]  }
0x3d: {  	_ =	shalt  }
0x3e: {  	_ =	shalt  }
0x3f: {  	_ =	shalt  }
0x40: {  	_ =	shalt  }
0x41: {  	_ =	shalt  }
0x42: {  	_ =	shalt  }
0x43: {  	_ =	shalt  }
0x44: {  	_ =	shalt  }
0x45: {  	_ =	shalt  }
0x46: {  	_ =	shalt  }
0x47: {  	_ =	shalt  }
0x48: {  	_ =	shalt  }
0x49: {  	_ =	shalt  }
0x4a: {  	_ =	shalt  }
0x4b: {  	_ =	shalt  }
0x4c: {  	_ =	shalt  }
0x4d: {  	_ =	shalt  }
0x4e: {  	_ =	shalt  }
0x4f: {  	_ =	shalt  }
0x50: {  	_ =	shalt  }
0x51: {  	_ =	shalt  }
0x52: {  	_ =	shalt  }
0x53: {  	_ =	shalt  }
0x54: {  	_ =	shalt  }
0x55: {  	_ =	shalt  }
0x56: {  	_ =	shalt  }
0x57: {  	_ =	shalt  }
0x58: {  	_ =	shalt  }
0x59: {  	_ =	shalt  }
0x5a: {  	_ =	shalt  }
0x5b: {  	_ =	shalt  }
0x5c: {  	_ =	shalt  }
0x5d: {  	_ =	shalt  }
0x5e: {  	_ =	shalt  }
0x5f: {  	_ =	shalt  }
0x60: {  	_ =	shalt  }
0x61: {  	_ =	shalt  }
0x62: {  	_ =	shalt  }
0x63: {  	_ =	shalt  }
0x64: {  	_ =	shalt  }
0x65: {  	_ =	shalt  }
0x66: {  	_ =	shalt  }
0x67: {  	_ =	shalt  }
0x68: {  	_ =	shalt  }
0x69: {  	_ =	shalt  }
0x6a: {  	_ =	shalt  }
0x6b: {  	_ =	shalt  }
0x6c: {  	_ =	shalt  }
0x6d: {  	_ =	shalt  }
0x6e: {  	_ =	shalt  }
0x6f: {  	_ =	shalt  }
0x70: {  	_ =	shalt  }
0x71: {  	_ =	shalt  }
0x72: {  	_ =	shalt  }
0x73: {  	_ =	shalt  }
0x74: {  	_ =	shalt  }
0x75: {  	_ =	shalt  }
0x76: {  	_ =	shalt  }
0x77: {  	_ =	shalt  }
0x78: {  	_ =	shalt  }
0x79: {  	_ =	shalt  }
0x7a: {  	_ =	shalt  }
0x7b: {  	_ =	shalt  }
0x7c: {  	_ =	shalt  }
0x7d: {  	_ =	shalt  }
0x7e: {  	_ =	shalt  }
0x7f: {  	_ =	shalt  }
0x80: {  	_ =	shalt  }
0x81: {  	_ =	shalt  }
0x82: {  	_ =	shalt  }
0x83: {  	_ =	shalt  }
0x84: {  	_ =	shalt  }
0x85: {  	_ =	shalt  }
0x86: {  	_ =	shalt  }
0x87: {  	_ =	shalt  }
.Lfunc_end0:
.L_simem_size_0:
called_computation_lowered:
.L_overlay_start_0:
0x88: {  	s2 =	sld [smem:$0x3FD9]  }
0x89: {  	s3 =	sld [smem:$0x3FFE];
	_ =	sdelay $0x1  }
0x8a: {  	s1 =	srdreg.scid  }
0x8b: {  	s0 =	sand.u32 $0x1, s1  }
0x8c: {  	s17 =	sshll.u32 s0, $0xA;
	s2 =	sadd.s32 s3, s2  }
0x8d: {  	s2 =	sadd.s32 s2, s17  }
0x8e: {  	[smem:$0x3FBA] =	sst s2  }
0x8f: {  	_ = 	snop  }
0x90: {  	s2 =	sld [smem:$0x3FC9]  }
0x91: {  	s18 =	sld [smem:$0x3FC8];
	(tm) =	ssettm $0x1  }
0x92: {  	s4 =	sld [smem:$0x3FFB];
	_ =	sdelay $0x3  }
0x93: {  	_ =	strace s4  }
0x94: {  	s4 =	sld [smem:$0x3FFC];
	_ =	sdelay $0x3  }
0x95: {  	_ =	strace s4  }
0x96: {  	s4 =	sld [smem:$0x3FFD];
	_ =	sdelay $0x3  }
0x97: {  	_ =	strace s4  }
0x98: {  	_ =	strace $0x8FFFFFFF  }
0x99: {  	s19 =	sld [smem:$0x3FDB];
	_ =	sdelay $0x1  }
0x9a: {  	s5 =	simm.s32 $_scs_section_size  }
0x9b: {  	s6 =	simm.s32 $_size__tile_overlayer_lowered;
	s7 =	simm.s32 $_tile_overlayer_lowered  }
0x9c: {  	s22 =	simm.s32 $0x1BFF;
	s21 =	sshll.u32 s7, $0x1;
	s4 =	sadd.s32 s5, s19  }
0x9d: {  	s8 =	simm.s32 $0x0;
	s20 =	sshll.u32 s6, $0x1;
	s6 =	sadd.s32 s21, s4  }
0x9e: {  	[timem:s8], [sflag:s22] =	dma.local [hbm:s6], s20  }
0x9f: {  	_ =	swait.ge [sflag:s22], s20  }
0xa0: {  	s5 =	ssub.s32 $0x0, s20;
	[sflag:s22] =	ssyncset.done $0x0  }
0xa1: {  	[sflag:s22] =	ssyncadd.s32 s5;
	_ =	sdelay $0x1  }
0xa2: {  	s23 =	simm.s32 $0x1B8B  }
0xa3: {  	_ =	swait.ge [sflag:s23], $0x1  }
0xa4: {  	[sflag:s23] =	ssyncset.done $0x0  }
0xa5: {  	s25 =	simm.s32 $0x1B8E;
	s24 =	sld [smem:$0x3FFE];
	[sflag:s23] =	ssyncadd.s32 $0xFFFFFFFF  }
0xa6: {  	s26 =	simm.s32 $execute0_lowered;
	[smem:$0x3FD2] =	sst s25  }
0xa7: {  	s6 =	sshll.u32 s26, $0x1;
	_ =	strace $0x80000046;
	[dreg:$0x1] =	wrdreg $0xFFFFFFFF  }
0xa8: {  	s28 =	simm.s32 $_size_execute0_lowered;
	s4 =	sadd.s32 s4, s6;
	[dreg:$0x0] =	wrdreg $0x0  }
0xa9: {  	s6 =	sshll.u32 s28, $0x1;
	[dreg:$0x2] =	wrdreg s4  }
0xaa: {  	[dreg:$0x3] =	wrdreg s6  }
0xab: {  	[dreg:$0x4] =	wrdreg $0xC0  }
0xac: {  	_ =	task [dreg:s8], $0x5FFFF  }
0xad: {  	[dreg:$0x1] =	wrdreg $0xFFFFFFFF  }
0xae: {  	[dreg:$0x0] =	wrdreg $0x60  }
0xaf: {  	[dreg:$0x2] =	wrdreg s2  }
0xb0: {  	[dreg:$0x3] =	wrdreg s18  }
0xb1: {  	[dreg:$0x4] =	wrdreg s24  }
0xb2: {  	[dreg:$0x5] =	wrdreg $0x9  }
0xb3: {  	_ =	task.clear_ibuf [dreg:s8], $0x6FFFF;
	_ =	strace $0x90000046  }
0xb4: {  	s29 =	simm.s32 $0x9;
	_ =	strace $0x80000048  }
0xb5: {  	_ =	swait.ge [sflag:s29], $0x1  }
0xb6: {  	[sflag:s29] =	ssyncadd.s32 $0xFFFFFFFF  }
0xb7: {  	_ =	strace $0x90000048  }
0xb8: {  	_ =	sfence  }
0xb9: {  	s30 =	sld [smem:$0x0];
	_ =	sdelay $0x2  }
0xba: {  	s31 =	sshll.u32 s1, $0xD;
	s1 =	sshrl.u32 s1, $0x2  }
0xbb: {  	s3 =	sand.u32 $0x4000, s31;
	s1 =	sadd.s32 s1, s30  }
0xbc: {  	s0 =	sor.u32 s3, s0;
	s1 =	sshll.u32 s1, $0x11  }
0xbd: {  	s0 =	sor.u32 s1, s0  }
0xbe: {  	s0 =	sadd.s32 $0x8F2B, s0  }
0xbf: {  	[sflag:s0] =	ssyncadd.remote.s32 $0x1  }
0xc0: {  	_ =	sfence.sel $0xFFFF  }
0xc1: {  	[dreg:$0x0] =	wrdreg $0xFFFFFFFF;
	(pc) =	sbr.abs _section_cstart, $3  }
0xc2: {  	[dreg:$0x1] =	wrdreg $0xFFFFFFFF  }
0xc3: {  	_ =	task.clear_ibuf [dreg:s8], $0x2FFFF;
	_ =	strace $0x9FFFFFFF  }
0xc4: {  	(tm) =	ssettm $0x7FFFFFFF  }
0xc5: {  	_ =	shalt  }
tec
execute0_lowered:
.L_overlay_start_1:
0x0: {  	(tag) =	ssettag $0x1  }
0x1: {  	s3 =	rddreg [dreg:$0x0]  }
0x2: {  	s5 =	rddreg [dreg:$0x1]  }
0x3: {  	s1 =	srdreg.scid;
	s0 =	stileid.u32  }
0x4: {  	s20 =	rddreg [dreg:$0x2];
	s25 =	sand.u32 $0x1, s1;
	s4 =	sshll.u32 s0, $0x1  }
0x5: {  	s2 =	simm.s32 $0x0;
	s1 =	rddreg [dreg:$0x3];
	s12 =	sor.u32 s25, s4  }
0x6: {  	[smem:$0x7FF] =	sst s2;
	s6 =	sshll.u32 s12, $0x6  }
0x7: {  	_ =	strace $0x80000047;
	s4 =	sadd.s32 s3, s6;
	s3 =	simm.s32 $0x3  }
0x8: {  	[tilespmem:s2], [sflag:$0x3] =	stream.linear.gather [hbm4b:s4+s2], $0x200, $0x38;
	[tilespmem:$0x8400] =	vst v63  }
0x9: {  	_ =	swait.ge [sflag:s3], $0x200  }
0xa: {  	[sflag:s3] =	ssyncset.done $0x0  }
0xb: {  	s5 =	sadd.s32 s5, s6;
	s6 =	simm.s32 $0x200;
	[sflag:s3] =	ssyncadd.s32 $0xFFFFFE00  }
0xc: {  	[tilespmem:s6], [sflag:$0x3] =	stream.linear.gather [hbm4b:s5+s2], $0x200, $0x38;
	[tilespmem:$0x8400] =	vst v63  }
0xd: {  	_ =	swait.ge [sflag:s3], $0x200  }
0xe: {  	s8 =	simm.s32 $0x80;
	[sflag:s3] =	ssyncset.done $0x0  }
0xf: {  	s9 =	simm.s32 $0x400;
	s7 =	sadd.s32 $0x1800, s20;
	[sflag:s3] =	ssyncadd.s32 $0xFFFFFE00  }
0x10: {  	[tilespmem:s9], [sflag:$0x1] =	stream.indirect.gather [hbm4b:s7+s8], $0x80, s2, s8, $0xb8;
	[tilespmem:$0x8400] =	vst v63  }
0x11: {  	s10 =	simm.s32 $0x4400;
	s11 =	simm.s32 $0x1  }
0x12: {  	[tilespmem:s10], [sflag:$0x2] =	stream.indirect.gather [hbm4b:s7+s8], $0x80, s8, s8, $0xb8;
	[tilespmem:$0x8400] =	vst v63  }
0x13: {  	_ =	swait.ge [sflag:s11], $0x4000  }
0x14: {  	s18 =	sadd.s32 $0xF43C00, s20;
	s21 =	sshll.u32 s12, $0xD;
	[sflag:s11] =	ssyncset.done $0x0  }
0x15: {  	s12 =	sadd.s32 s18, s21;
	[sflag:s11] =	ssyncadd.s32 $0xFFFFC000  }
0x16: {  	[hbm4b:s12+s2] =	stream.linear.scatter [tilespmem:s9], [sflag:$0x3], $0x4000, $0x38;
	[tilespmem:$0x8400] =	vst v63  }
0x17: {  	_ =	swait.ge [sflag:s3], $0x4000  }
0x18: {  	[sflag:s3] =	ssyncset.done $0x0  }
0x19: {  	s13 =	simm.s32 $0x100;
	s14 =	simm.s32 $0x2;
	[sflag:s3] =	ssyncadd.s32 $0xFFFFC000  }
0x1a: {  	[tilespmem:s9], [sflag:$0x1] =	stream.indirect.gather [hbm4b:s7+s8], $0x80, s13, s8, $0xb8;
	[tilespmem:$0x8400] =	vst v63  }
0x1b: {  	_ =	swait.ge [sflag:s14], $0x4000  }
0x1c: {  	s22 =	sor.u32 $0x800, s21;
	[sflag:s14] =	ssyncset.done $0x0  }
0x1d: {  	s15 =	sadd.s32 s18, s22;
	[sflag:s14] =	ssyncadd.s32 $0xFFFFC000  }
0x1e: {  	[hbm4b:s15+s2] =	stream.linear.scatter [tilespmem:s10], [sflag:$0x3], $0x4000, $0x38;
	[tilespmem:$0x8400] =	vst v63  }
0x1f: {  	_ =	swait.ge [sflag:s3], $0x4000  }
0x20: {  	[sflag:s3] =	ssyncset.done $0x0  }
0x21: {  	s16 =	simm.s32 $0x180;
	[sflag:s3] =	ssyncadd.s32 $0xFFFFC000  }
0x22: {  	[tilespmem:s10], [sflag:$0x2] =	stream.indirect.gather [hbm4b:s7+s8], $0x80, s16, s8, $0xb8;
	[tilespmem:$0x8400] =	vst v63  }
0x23: {  	_ =	swait.ge [sflag:s11], $0x4000  }
0x24: {  	s24 =	sor.u32 $0x1000, s21;
	[sflag:s11] =	ssyncset.done $0x0  }
0x25: {  	s17 =	sadd.s32 s18, s24;
	[sflag:s11] =	ssyncadd.s32 $0xFFFFC000  }
0x26: {  	[hbm4b:s17+s2] =	stream.linear.scatter [tilespmem:s9], [sflag:$0x3], $0x4000, $0x38;
	[tilespmem:$0x8400] =	vst v63  }
0x27: {  	_ =	swait.ge [sflag:s3], $0x4000  }
0x28: {  	[sflag:s3] =	ssyncset.done $0x0  }
0x29: {  	[sflag:s3] =	ssyncadd.s32 $0xFFFFC000  }
0x2a: {  	_ =	swait.ge [sflag:s14], $0x4000  }
0x2b: {  	s26 =	sor.u32 $0x1800, s21;
	[sflag:s14] =	ssyncset.done $0x0  }
0x2c: {  	s18 =	sadd.s32 s18, s26;
	[sflag:s14] =	ssyncadd.s32 $0xFFFFC000  }
0x2d: {  	[hbm4b:s18+s2] =	stream.linear.scatter [tilespmem:s10], [sflag:$0x3], $0x4000, $0x38;
	[tilespmem:$0x8400] =	vst v63  }
0x2e: {  	_ =	swait.ge [sflag:s3], $0x4000  }
0x2f: {  	[sflag:s3] =	ssyncset.done $0x0  }
0x30: {  	[sflag:s3] =	ssyncadd.s32 $0xFFFFC000  }
0x31: {  	[tilespmem:s9], [sflag:$0x1] =	stream.indirect.gather [hbm4b:s7+s8], $0x80, s6, s8, $0xb8;
	[tilespmem:$0x8400] =	vst v63  }
0x32: {  	s19 =	simm.s32 $0x280  }
0x33: {  	[tilespmem:s10], [sflag:$0x2] =	stream.indirect.gather [hbm4b:s7+s8], $0x80, s19, s8, $0xb8;
	[tilespmem:$0x8400] =	vst v63  }
0x34: {  	_ =	swait.ge [sflag:s11], $0x4000  }
0x35: {  	s28 =	sadd.s32 $0xF83C00, s20;
	[sflag:s11] =	ssyncset.done $0x0  }
0x36: {  	s20 =	sadd.s32 s28, s21;
	[sflag:s11] =	ssyncadd.s32 $0xFFFFC000  }
0x37: {  	[hbm4b:s20+s2] =	stream.linear.scatter [tilespmem:s9], [sflag:$0x3], $0x4000, $0x38;
	[tilespmem:$0x8400] =	vst v63  }
0x38: {  	_ =	swait.ge [sflag:s3], $0x4000  }
0x39: {  	[sflag:s3] =	ssyncset.done $0x0  }
0x3a: {  	s21 =	simm.s32 $0x300;
	[sflag:s3] =	ssyncadd.s32 $0xFFFFC000  }
0x3b: {  	[tilespmem:s9], [sflag:$0x1] =	stream.indirect.gather [hbm4b:s7+s8], $0x80, s21, s8, $0xb8;
	[tilespmem:$0x8400] =	vst v63  }
0x3c: {  	_ =	swait.ge [sflag:s14], $0x4000  }
0x3d: {  	[sflag:s14] =	ssyncset.done $0x0  }
0x3e: {  	s22 =	sadd.s32 s28, s22;
	[sflag:s14] =	ssyncadd.s32 $0xFFFFC000  }
0x3f: {  	[hbm4b:s22+s2] =	stream.linear.scatter [tilespmem:s10], [sflag:$0x3], $0x4000, $0x38;
	[tilespmem:$0x8400] =	vst v63  }
0x40: {  	_ =	swait.ge [sflag:s3], $0x4000  }
0x41: {  	[sflag:s3] =	ssyncset.done $0x0  }
0x42: {  	s23 =	simm.s32 $0x380;
	[sflag:s3] =	ssyncadd.s32 $0xFFFFC000  }
0x43: {  	[tilespmem:s10], [sflag:$0x2] =	stream.indirect.gather [hbm4b:s7+s8], $0x80, s23, s8, $0xb8;
	[tilespmem:$0x8400] =	vst v63  }
0x44: {  	_ =	swait.ge [sflag:s11], $0x4000  }
0x45: {  	[sflag:s11] =	ssyncset.done $0x0  }
0x46: {  	s25 =	ssub.s32 $0x2, s25;
	s24 =	sadd.s32 s28, s24;
	[sflag:s11] =	ssyncadd.s32 $0xFFFFC000  }
0x47: {  	[hbm4b:s24+s2] =	stream.linear.scatter [tilespmem:s9], [sflag:$0x3], $0x4000, $0x38;
	[tilespmem:$0x8400] =	vst v63  }
0x48: {  	s29 =	sshrl.u32 s25, $0x1;
	_ =	swait.ge [sflag:s3], $0x4000  }
0x49: {  	s29 =	ssub.s32 s25, s29;
	[sflag:s3] =	ssyncset.done $0x0  }
0x4a: {  	s31 =	smax.u32 s29, $0x1;
	[sflag:s3] =	ssyncadd.s32 $0xFFFFC000  }
0x4b: {  	p0 =	sne.s32 s31, $0x1;
	_ =	swait.ge [sflag:s14], $0x4000  }
.Ltmp0:
0x4c: {  	[sflag:s14] =	ssyncset.done $0x0;
	(pc) =	sbr.rel @!p0 .LBB2_2-.Ltmp0, $4  }
0x4d: {  	s25 =	sadd.s32 s28, s26;
	[sflag:s14] =	ssyncadd.s32 $0xFFFFC000  }
0x4e: {  	[hbm4b:s25+s2] =	stream.linear.scatter [tilespmem:s10], [sflag:$0x3], $0x4000, $0x38;
	[tilespmem:$0x8400] =	vst v63  }
0x4f: {  	_ =	swait.ge [sflag:s3], $0x4000  }
0x50: {  	s26 =	sadd.s32 $0xFFFFFFFF, s31;
	[sflag:s3] =	ssyncset.done $0x0  }
.LBB2_1:
0x51: {  	p0 =	sne.s32 s26, $0x1;
	s26 =	sadd.s32 $0xFFFFFFFF, s26;
	[sflag:s3] =	ssyncadd.s32 $0xFFFFC000  }
0x52: {  	[tilespmem:s2], [sflag:$0x3] =	stream.linear.gather [hbm4b:s4+s2], $0x200, $0x38;
	[tilespmem:$0x8400] =	vst v63  }
0x53: {  	_ =	swait.ge [sflag:s3], $0x200  }
0x54: {  	[sflag:s3] =	ssyncset.done $0x0  }
0x55: {  	[sflag:s3] =	ssyncadd.s32 $0xFFFFFE00  }
0x56: {  	[tilespmem:s6], [sflag:$0x3] =	stream.linear.gather [hbm4b:s5+s2], $0x200, $0x38;
	[tilespmem:$0x8400] =	vst v63  }
0x57: {  	_ =	swait.ge [sflag:s3], $0x200  }
0x58: {  	[sflag:s3] =	ssyncset.done $0x0  }
0x59: {  	[sflag:s3] =	ssyncadd.s32 $0xFFFFFE00  }
0x5a: {  	[tilespmem:s9], [sflag:$0x1] =	stream.indirect.gather [hbm4b:s7+s8], $0x80, s2, s8, $0xb8;
	[tilespmem:$0x8400] =	vst v63  }
0x5b: {  	_ = 	snop  }
0x5c: {  	[tilespmem:s10], [sflag:$0x2] =	stream.indirect.gather [hbm4b:s7+s8], $0x80, s8, s8, $0xb8;
	[tilespmem:$0x8400] =	vst v63  }
0x5d: {  	_ =	swait.ge [sflag:s11], $0x4000  }
0x5e: {  	[sflag:s11] =	ssyncset.done $0x0  }
0x5f: {  	[sflag:s11] =	ssyncadd.s32 $0xFFFFC000  }
0x60: {  	[hbm4b:s12+s2] =	stream.linear.scatter [tilespmem:s9], [sflag:$0x3], $0x4000, $0x38;
	[tilespmem:$0x8400] =	vst v63  }
0x61: {  	_ =	swait.ge [sflag:s3], $0x4000  }
0x62: {  	[sflag:s3] =	ssyncset.done $0x0  }
0x63: {  	[sflag:s3] =	ssyncadd.s32 $0xFFFFC000  }
0x64: {  	[tilespmem:s9], [sflag:$0x1] =	stream.indirect.gather [hbm4b:s7+s8], $0x80, s13, s8, $0xb8;
	[tilespmem:$0x8400] =	vst v63  }
0x65: {  	_ =	swait.ge [sflag:s14], $0x4000  }
0x66: {  	[sflag:s14] =	ssyncset.done $0x0  }
0x67: {  	[sflag:s14] =	ssyncadd.s32 $0xFFFFC000  }
0x68: {  	[hbm4b:s15+s2] =	stream.linear.scatter [tilespmem:s10], [sflag:$0x3], $0x4000, $0x38;
	[tilespmem:$0x8400] =	vst v63  }
0x69: {  	_ =	swait.ge [sflag:s3], $0x4000  }
0x6a: {  	[sflag:s3] =	ssyncset.done $0x0  }
0x6b: {  	[sflag:s3] =	ssyncadd.s32 $0xFFFFC000  }
0x6c: {  	[tilespmem:s10], [sflag:$0x2] =	stream.indirect.gather [hbm4b:s7+s8], $0x80, s16, s8, $0xb8;
	[tilespmem:$0x8400] =	vst v63  }
0x6d: {  	_ =	swait.ge [sflag:s11], $0x4000  }
0x6e: {  	[sflag:s11] =	ssyncset.done $0x0  }
0x6f: {  	[sflag:s11] =	ssyncadd.s32 $0xFFFFC000  }
0x70: {  	[hbm4b:s17+s2] =	stream.linear.scatter [tilespmem:s9], [sflag:$0x3], $0x4000, $0x38;
	[tilespmem:$0x8400] =	vst v63  }
0x71: {  	_ =	swait.ge [sflag:s3], $0x4000  }
0x72: {  	[sflag:s3] =	ssyncset.done $0x0  }
0x73: {  	[sflag:s3] =	ssyncadd.s32 $0xFFFFC000  }
0x74: {  	_ =	swait.ge [sflag:s14], $0x4000  }
0x75: {  	[sflag:s14] =	ssyncset.done $0x0  }
0x76: {  	[sflag:s14] =	ssyncadd.s32 $0xFFFFC000  }
0x77: {  	[hbm4b:s18+s2] =	stream.linear.scatter [tilespmem:s10], [sflag:$0x3], $0x4000, $0x38;
	[tilespmem:$0x8400] =	vst v63  }
0x78: {  	_ =	swait.ge [sflag:s3], $0x4000  }
0x79: {  	[sflag:s3] =	ssyncset.done $0x0  }
0x7a: {  	[sflag:s3] =	ssyncadd.s32 $0xFFFFC000  }
0x7b: {  	[tilespmem:s9], [sflag:$0x1] =	stream.indirect.gather [hbm4b:s7+s8], $0x80, s6, s8, $0xb8;
	[tilespmem:$0x8400] =	vst v63  }
0x7c: {  	_ = 	snop  }
0x7d: {  	[tilespmem:s10], [sflag:$0x2] =	stream.indirect.gather [hbm4b:s7+s8], $0x80, s19, s8, $0xb8;
	[tilespmem:$0x8400] =	vst v63  }
0x7e: {  	_ =	swait.ge [sflag:s11], $0x4000  }
0x7f: {  	[sflag:s11] =	ssyncset.done $0x0  }
0x80: {  	[sflag:s11] =	ssyncadd.s32 $0xFFFFC000  }
0x81: {  	[hbm4b:s20+s2] =	stream.linear.scatter [tilespmem:s9], [sflag:$0x3], $0x4000, $0x38;
	[tilespmem:$0x8400] =	vst v63  }
0x82: {  	_ =	swait.ge [sflag:s3], $0x4000  }
0x83: {  	[sflag:s3] =	ssyncset.done $0x0  }
0x84: {  	[sflag:s3] =	ssyncadd.s32 $0xFFFFC000  }
0x85: {  	[tilespmem:s9], [sflag:$0x1] =	stream.indirect.gather [hbm4b:s7+s8], $0x80, s21, s8, $0xb8;
	[tilespmem:$0x8400] =	vst v63  }
0x86: {  	_ =	swait.ge [sflag:s14], $0x4000  }
0x87: {  	[sflag:s14] =	ssyncset.done $0x0  }
0x88: {  	[sflag:s14] =	ssyncadd.s32 $0xFFFFC000  }
0x89: {  	[hbm4b:s22+s2] =	stream.linear.scatter [tilespmem:s10], [sflag:$0x3], $0x4000, $0x38;
	[tilespmem:$0x8400] =	vst v63  }
0x8a: {  	_ =	swait.ge [sflag:s3], $0x4000  }
0x8b: {  	[sflag:s3] =	ssyncset.done $0x0  }
0x8c: {  	[sflag:s3] =	ssyncadd.s32 $0xFFFFC000  }
0x8d: {  	[tilespmem:s10], [sflag:$0x2] =	stream.indirect.gather [hbm4b:s7+s8], $0x80, s23, s8, $0xb8;
	[tilespmem:$0x8400] =	vst v63  }
0x8e: {  	_ =	swait.ge [sflag:s11], $0x4000  }
0x8f: {  	[sflag:s11] =	ssyncset.done $0x0  }
0x90: {  	[sflag:s11] =	ssyncadd.s32 $0xFFFFC000  }
0x91: {  	[hbm4b:s24+s2] =	stream.linear.scatter [tilespmem:s9], [sflag:$0x3], $0x4000, $0x38;
	[tilespmem:$0x8400] =	vst v63  }
0x92: {  	_ =	swait.ge [sflag:s3], $0x4000  }
0x93: {  	[sflag:s3] =	ssyncset.done $0x0  }
0x94: {  	[sflag:s3] =	ssyncadd.s32 $0xFFFFC000  }
0x95: {  	_ =	swait.ge [sflag:s14], $0x4000  }
.Ltmp1:
0x96: {  	[sflag:s14] =	ssyncset.done $0x0;
	(pc) =	sbr.rel @p0 .LBB2_1-.Ltmp1, $4  }
0x97: {  	[sflag:s14] =	ssyncadd.s32 $0xFFFFC000  }
0x98: {  	[hbm4b:s25+s2] =	stream.linear.scatter [tilespmem:s10], [sflag:$0x3], $0x4000, $0x38;
	[tilespmem:$0x8400] =	vst v63  }
0x99: {  	_ =	swait.ge [sflag:s3], $0x4000  }
0x9a: {  	[sflag:s3] =	ssyncset.done $0x0  }
.LBB2_2:
0x9b: {  	[sflag:s3] =	ssyncadd.s32 $0xFFFFC000  }
0x9c: {  	_ =	sfence.sel $0x180000  }
0x9d: {  	[bflag:$0x0] =	sbarrier.arrive $0xFFFF  }
0x9e: {  	p0 =	sne.s32 s0, $0x0;
	_ =	strace $0x90000047  }
0x9f: {  	s0 =	sadd.s32 @!p0 $0x100000, s1;
	[bflag:$0x2] =	sbarrier.arrive $0xFFFF  }
0xa0: {  	[sflag:s0] =	ssyncadd.tile.s32 @!p0 $0x1;
	_ =	shalt  }
.Lfunc_end2:
_tile_overlayer_lowered:
.L_overlay_start_2:
0xa1: {  	(tag) =	ssettag $0x2  }
0xa2: {  	s0 =	rddreg [dreg:$0x0];
	s2 =	stileid.u32  }
0xa3: {  	s1 =	rddreg [dreg:$0x1];
	p0 =	sne.s32 s2, $0x0  }
0xa4: {  	s3 =	rddreg [dreg:$0x2];
	[bflag:$0x3] =	sbarrier.arrive $0xFFFF;
	s2 =	simm.s32 @!p0 $0x1C03  }
0xa5: {  	[timem:s3], [sflag:s2] =	dma.local @!p0 [hbm:s0], s1  }
0xa6: {  	s0 =	simm.s32 @!p0 $0x3  }
0xa7: {  	_ =	swait.ge @!p0 [sflag:s0], s1  }
0xa8: {  	s1 =	ssub.s32 @!p0 $0x0, s1;
	[sflag:s0] =	ssyncset.done @!p0 $0x0  }
0xa9: {  	[sflag:s0] =	ssyncadd.s32 @!p0 s1  }
0xaa: {  	[bflag:$0x3] =	sbarrier.arrive $0xFFFF  }
0xab: {  	_ =	shalt  }

</sc_bundles>
